<compile_context>
chip_gen: v7x
topology: tpu7x:2x2x1
jax: 0.10.2.dev20260603
libtpu: 0.0.44.dev20260713+nightly
codegen_flags: <defaults>
</compile_context>

<pallas_src>
import functools

import jax
import jax.numpy as jnp
from jax import lax
from jax.experimental import pallas as pl
from jax.experimental.pallas import tpu as pltpu
from jax.experimental.pallas import tpu_sc as plsc

CHUNK = 16
NBUF = 4
LEAD = 2


@functools.lru_cache(maxsize=None)
def _make_sc_gather(N, V, D, nc, ns):
    nw = nc * ns
    n_per_w = N // nw
    n_chunks = n_per_w // CHUNK
    n_mid = (n_chunks - 2 * NBUF) // NBUF
    tail_start = NBUF * (1 + n_mid)
    assert n_chunks >= 3 * NBUF and 1 <= LEAD < NBUF
    mesh = plsc.VectorSubcoreMesh(core_axis_name="c", subcore_axis_name="s")

    @functools.partial(
        pl.kernel,
        mesh=mesh,
        out_type=jax.ShapeDtypeStruct((N, D), jnp.float32),
        scratch_types=[
            pltpu.VMEM((n_per_w,), jnp.int32),
            pltpu.VMEM((NBUF, CHUNK, D), jnp.float32),
        ]
        + [pltpu.SemaphoreType.DMA] * (2 * NBUF),
    )
    def gather_kernel(idx_hbm, pe_hbm, out_hbm, idx_v, rows_v, *sems):
        gsem, ssem = sems[:NBUF], sems[NBUF:]
        wid = lax.axis_index("s") * nc + lax.axis_index("c")
        base = wid * n_per_w
        pltpu.sync_copy(idx_hbm.at[pl.ds(base, n_per_w)], idx_v)

        def gather(c, b):
            return pltpu.make_async_copy(
                pe_hbm.at[idx_v.at[pl.ds(c * CHUNK, CHUNK)]],
                rows_v.at[b],
                gsem[b],
            )

        def store(c, b):
            return pltpu.make_async_copy(
                rows_v.at[b],
                out_hbm.at[pl.ds(base + c * CHUNK, CHUNK)],
                ssem[b],
            )

        def emit(c, cc, b):
            gather(cc, b).wait()
            if c - (NBUF - LEAD) >= 0:
                store(cc - (NBUF - LEAD), (c - (NBUF - LEAD)) % NBUF).wait()
            if c + LEAD < n_chunks:
                gather(cc + LEAD, (c + LEAD) % NBUF).start()
            store(cc, b).start()

        for b in range(LEAD):
            gather(b, b).start()
        for c in range(NBUF):
            emit(c, c, c % NBUF)

        def body(i, carry):
            c0 = (i + 1) * NBUF
            for b in range(NBUF):
                emit(NBUF + b, c0 + b, b)
            return carry

        lax.fori_loop(0, n_mid, body, 0)

        for c in range(tail_start, n_chunks):
            emit(c, c, c % NBUF)
        for c in range(n_chunks - (NBUF - LEAD), n_chunks):
            store(c, c % NBUF).wait()

    return gather_kernel


def kernel(position_ids, pe):
    B, T = position_ids.shape
    V, D = pe.shape
    N = B * T
    info = plsc.get_sparse_core_info()
    idx = position_ids.reshape(N).astype(jnp.int32)
    out = _make_sc_gather(N, V, D, info.num_cores, info.num_subcores)(idx, pe)
    return out.reshape(B, T, D)

# --- scband reference (transcript-rebuilt; emitter-appended) ---
"""Pipeline reference for scband-sinusoidal-positional-encoding-76407468195906 (READ-ONLY COPY).

The authoritative reference and input builder live on the scoring server;
editing this copy changes nothing except your own understanding.
"""

import jax, jax.numpy as jnp
import numpy as np

D_MODEL = 1024
MAX_LEN = 8192
BASE = 10000
B = 4
T = 8192


def _compute_pe():
    position = np.arange(MAX_LEN)[:, None].astype(np.float32)
    div_term = np.exp(np.arange(0, D_MODEL, 2).astype(np.float32) * -(np.log(BASE) / D_MODEL))
    pe = np.zeros((MAX_LEN, D_MODEL), dtype=np.float32)
    pe[:, 0::2] = np.sin(position * div_term)
    pe[:, 1::2] = np.cos(position * div_term)
    return jnp.asarray(pe)


def setup_inputs(seed: int = 0) -> dict:
    key = jax.random.key(seed)
    position_ids = jax.random.randint(key, (B, T), 0, MAX_LEN)
    pe = _compute_pe()
    return {"position_ids": position_ids, "pe": pe}


def reference(position_ids, pe):
    # pos_encoding = self.pe[position_ids]; dropout=0.0 -> identity
    pos_encoding = jnp.take(pe, position_ids, axis=0)
    return pos_encoding

if __name__ == "__main__":
    import jax
    _d = setup_inputs()
    print(jax.jit(kernel)(*tuple(_d.values())))

</pallas_src>

<mosaic_0001>
#map = affine_map<(d0, d1) -> (0)>
#map1 = affine_map<(d0, d1) -> (0, 0)>
module attributes {stable_mosaic.version = 14 : i64} {
  func.func @gather_kernel(%arg0: i32, %arg1: i32, %arg2: memref<32768xi32, #tpu.memory_space<hbm>>, %arg3: memref<8192x1024xf32, #tpu.memory_space<hbm>>, %arg4: memref<32768x1024xf32, #tpu.memory_space<hbm>>, %arg5: memref<1024xi32, #tpu.memory_space<vmem>>, %arg6: memref<4x16x1024xf32, #tpu.memory_space<vmem>>, %arg7: memref<!tpu.dma_semaphore, #tpu.memory_space<semaphore_mem>>, %arg8: memref<!tpu.dma_semaphore, #tpu.memory_space<semaphore_mem>>, %arg9: memref<!tpu.dma_semaphore, #tpu.memory_space<semaphore_mem>>, %arg10: memref<!tpu.dma_semaphore, #tpu.memory_space<semaphore_mem>>, %arg11: memref<!tpu.dma_semaphore, #tpu.memory_space<semaphore_mem>>, %arg12: memref<!tpu.dma_semaphore, #tpu.memory_space<semaphore_mem>>, %arg13: memref<!tpu.dma_semaphore, #tpu.memory_space<semaphore_mem>>, %arg14: memref<!tpu.dma_semaphore, #tpu.memory_space<semaphore_mem>>) attributes {dimension_semantics = [#tpu.dimension_semantics<core_parallel>, #tpu.dimension_semantics<subcore_parallel>], iteration_bounds = array<i64: 2, 16>, scalar_prefetch = 0 : i64, scratch_operands = 10 : i64, tpu.core_type = #tpu.core_type<sc_vector_subcore>, window_params = [{transform_indices = #map}, {transform_indices = #map1}, {transform_indices = #map1}]} {
    %mul3A = arith.constant 2 : i32
    %mul3A_0 = arith.muli %arg1, %mul3A : i32
    %add3A = arith.addi %mul3A_0, %arg0 : i32
    %mul3A_1 = arith.constant 1024 : i32
    %mul3A_2 = arith.muli %add3A, %mul3A_1 : i32
    "tpu.region"() ({
      %run_scoped3A = tpu.sem_alloc : memref<!tpu.dma_semaphore, #tpu.memory_space<semaphore_mem>>
      %dma_start3A_406 = tpu.memref_slice %arg2[%mul3A_2] : memref<32768xi32, #tpu.memory_space<hbm>> -> memref<1024xi32, #tpu.memory_space<hbm>>
      %dma_start3A_407 = tpu.memref_slice %arg2[%mul3A_2] : memref<32768xi32, #tpu.memory_space<hbm>> -> memref<1024xi32, #tpu.memory_space<hbm>>
      tpu.enqueue_dma source(%dma_start3A_407 : memref<1024xi32, #tpu.memory_space<hbm>>) target(%arg5 : memref<1024xi32, #tpu.memory_space<vmem>>) target_semaphore(%run_scoped3A : memref<!tpu.dma_semaphore, #tpu.memory_space<semaphore_mem>>)
      %dma_wait3A_408 = tpu.memref_slice %arg2[%mul3A_2] : memref<32768xi32, #tpu.memory_space<hbm>> -> memref<1024xi32, #tpu.memory_space<hbm>>
      %dma_wait3A_409 = tpu.memref_slice %arg2[%mul3A_2] : memref<32768xi32, #tpu.memory_space<hbm>> -> memref<1024xi32, #tpu.memory_space<hbm>>
      tpu.wait_dma2 semaphore(%run_scoped3A : memref<!tpu.dma_semaphore, #tpu.memory_space<semaphore_mem>>) src(%dma_wait3A_409 : memref<1024xi32, #tpu.memory_space<hbm>>) dst(%arg5 : memref<1024xi32, #tpu.memory_space<vmem>>)
      tpu.yield
    }) : () -> ()
    %dma_start3A = arith.constant 0 : i32
    %dma_start3A_3 = arith.constant 0 : i32
    %dma_start3A_4 = arith.constant 0 : i32
    %dma_start3A_5 = tpu.memref_slice %arg6[%dma_start3A, %dma_start3A_3, %dma_start3A_4] : memref<4x16x1024xf32, #tpu.memory_space<vmem>> -> memref<1x16x1024xf32, #tpu.memory_space<vmem>>
    %dma_start3A_6 = tpu.memref_squeeze %dma_start3A_5 : memref<1x16x1024xf32, #tpu.memory_space<vmem>> -> memref<16x1024xf32, #tpu.memory_space<vmem>>
    %dma_start3A_7 = arith.constant 0 : i32
    %dma_start3A_8 = tpu.memref_slice %arg5[%dma_start3A_7] : memref<1024xi32, #tpu.memory_space<vmem>> -> memref<16xi32, #tpu.memory_space<vmem>>
    %dma_start3A_9 = arith.constant 0 : i32
    %dma_start3A_10 = arith.constant 0 : i32
    %dma_start3A_11 = tpu.memref_slice %arg3[%dma_start3A_9, %dma_start3A_10] : memref<8192x1024xf32, #tpu.memory_space<hbm>> -> memref<8192x1024xf32, #tpu.memory_space<hbm>>
    tpu.enqueue_indirect_dma source(%dma_start3A_11 : memref<8192x1024xf32, #tpu.memory_space<hbm>>) target(%dma_start3A_6 : memref<16x1024xf32, #tpu.memory_space<vmem>>) offsets(%dma_start3A_8 : memref<16xi32, #tpu.memory_space<vmem>>) semaphore(%arg7 : memref<!tpu.dma_semaphore, #tpu.memory_space<semaphore_mem>>)
    %dma_start3A_12 = arith.constant 1 : i32
    %dma_start3A_13 = arith.constant 0 : i32
    %dma_start3A_14 = arith.constant 0 : i32
    %dma_start3A_15 = tpu.memref_slice %arg6[%dma_start3A_12, %dma_start3A_13, %dma_start3A_14] : memref<4x16x1024xf32, #tpu.memory_space<vmem>> -> memref<1x16x1024xf32, #tpu.memory_space<vmem>>
    %dma_start3A_16 = tpu.memref_squeeze %dma_start3A_15 : memref<1x16x1024xf32, #tpu.memory_space<vmem>> -> memref<16x1024xf32, #tpu.memory_space<vmem>>
    %dma_start3A_17 = arith.constant 16 : i32
    %dma_start3A_18 = tpu.memref_slice %arg5[%dma_start3A_17] : memref<1024xi32, #tpu.memory_space<vmem>> -> memref<16xi32, #tpu.memory_space<vmem>>
    %dma_start3A_19 = arith.constant 0 : i32
    %dma_start3A_20 = arith.constant 0 : i32
    %dma_start3A_21 = tpu.memref_slice %arg3[%dma_start3A_19, %dma_start3A_20] : memref<8192x1024xf32, #tpu.memory_space<hbm>> -> memref<8192x1024xf32, #tpu.memory_space<hbm>>
    tpu.enqueue_indirect_dma source(%dma_start3A_21 : memref<8192x1024xf32, #tpu.memory_space<hbm>>) target(%dma_start3A_16 : memref<16x1024xf32, #tpu.memory_space<vmem>>) offsets(%dma_start3A_18 : memref<16xi32, #tpu.memory_space<vmem>>) semaphore(%arg8 : memref<!tpu.dma_semaphore, #tpu.memory_space<semaphore_mem>>)
    %dma_wait3A = arith.constant 0 : i32
    %dma_wait3A_22 = arith.constant 0 : i32
    %dma_wait3A_23 = arith.constant 0 : i32
    %dma_wait3A_24 = tpu.memref_slice %arg6[%dma_wait3A, %dma_wait3A_22, %dma_wait3A_23] : memref<4x16x1024xf32, #tpu.memory_space<vmem>> -> memref<1x16x1024xf32, #tpu.memory_space<vmem>>
    %dma_wait3A_25 = tpu.memref_squeeze %dma_wait3A_24 : memref<1x16x1024xf32, #tpu.memory_space<vmem>> -> memref<16x1024xf32, #tpu.memory_space<vmem>>
    %dma_wait3A_26 = arith.constant 0 : i32
    %dma_wait3A_27 = tpu.memref_slice %arg5[%dma_wait3A_26] : memref<1024xi32, #tpu.memory_space<vmem>> -> memref<16xi32, #tpu.memory_space<vmem>>
    %dma_wait3A_28 = arith.constant 0 : i32
    %dma_wait3A_29 = arith.constant 0 : i32
    %dma_wait3A_30 = tpu.memref_slice %arg3[%dma_wait3A_28, %dma_wait3A_29] : memref<8192x1024xf32, #tpu.memory_space<hbm>> -> memref<8192x1024xf32, #tpu.memory_space<hbm>>
    tpu.wait_indirect_dma semaphore(%arg7 : memref<!tpu.dma_semaphore, #tpu.memory_space<semaphore_mem>>) src(%dma_wait3A_30 : memref<8192x1024xf32, #tpu.memory_space<hbm>>) dst(%dma_wait3A_25 : memref<16x1024xf32, #tpu.memory_space<vmem>>)
    %dma_start3A_31 = arith.constant 2 : i32
    %dma_start3A_32 = arith.constant 0 : i32
    %dma_start3A_33 = arith.constant 0 : i32
    %dma_start3A_34 = tpu.memref_slice %arg6[%dma_start3A_31, %dma_start3A_32, %dma_start3A_33] : memref<4x16x1024xf32, #tpu.memory_space<vmem>> -> memref<1x16x1024xf32, #tpu.memory_space<vmem>>
    %dma_start3A_35 = tpu.memref_squeeze %dma_start3A_34 : memref<1x16x1024xf32, #tpu.memory_space<vmem>> -> memref<16x1024xf32, #tpu.memory_space<vmem>>
    %dma_start3A_36 = arith.constant 32 : i32
    %dma_start3A_37 = tpu.memref_slice %arg5[%dma_start3A_36] : memref<1024xi32, #tpu.memory_space<vmem>> -> memref<16xi32, #tpu.memory_space<vmem>>
    %dma_start3A_38 = arith.constant 0 : i32
    %dma_start3A_39 = arith.constant 0 : i32
    %dma_start3A_40 = tpu.memref_slice %arg3[%dma_start3A_38, %dma_start3A_39] : memref<8192x1024xf32, #tpu.memory_space<hbm>> -> memref<8192x1024xf32, #tpu.memory_space<hbm>>
    tpu.enqueue_indirect_dma source(%dma_start3A_40 : memref<8192x1024xf32, #tpu.memory_space<hbm>>) target(%dma_start3A_35 : memref<16x1024xf32, #tpu.memory_space<vmem>>) offsets(%dma_start3A_37 : memref<16xi32, #tpu.memory_space<vmem>>) semaphore(%arg9 : memref<!tpu.dma_semaphore, #tpu.memory_space<semaphore_mem>>)
    %add3A_41 = arith.constant 0 : i32
    %add3A_42 = arith.addi %mul3A_2, %add3A_41 : i32
    %dma_start3A_43 = arith.constant 0 : i32
    %dma_start3A_44 = arith.constant 0 : i32
    %dma_start3A_45 = arith.constant 0 : i32
    %dma_start3A_46 = tpu.memref_slice %arg6[%dma_start3A_43, %dma_start3A_44, %dma_start3A_45] : memref<4x16x1024xf32, #tpu.memory_space<vmem>> -> memref<1x16x1024xf32, #tpu.memory_space<vmem>>
    %dma_start3A_47 = tpu.memref_squeeze %dma_start3A_46 : memref<1x16x1024xf32, #tpu.memory_space<vmem>> -> memref<16x1024xf32, #tpu.memory_space<vmem>>
    %dma_start3A_48 = arith.constant 0 : i32
    %dma_start3A_49 = tpu.memref_slice %arg4[%add3A_42, %dma_start3A_48] : memref<32768x1024xf32, #tpu.memory_space<hbm>> -> memref<16x1024xf32, #tpu.memory_space<hbm>>
    %dma_start3A_50 = arith.constant 0 : i32
    %dma_start3A_51 = tpu.memref_slice %arg4[%add3A_42, %dma_start3A_50] : memref<32768x1024xf32, #tpu.memory_space<hbm>> -> memref<16x1024xf32, #tpu.memory_space<hbm>>
    %dma_start3A_52 = arith.constant 0 : i32
    %dma_start3A_53 = arith.constant 0 : i32
    %dma_start3A_54 = tpu.memref_slice %arg6[%dma_start3A_43, %dma_start3A_52, %dma_start3A_53] : memref<4x16x1024xf32, #tpu.memory_space<vmem>> -> memref<1x16x1024xf32, #tpu.memory_space<vmem>>
    %dma_start3A_55 = tpu.memref_squeeze %dma_start3A_54 : memref<1x16x1024xf32, #tpu.memory_space<vmem>> -> memref<16x1024xf32, #tpu.memory_space<vmem>>
    tpu.enqueue_dma source(%dma_start3A_55 : memref<16x1024xf32, #tpu.memory_space<vmem>>) target(%dma_start3A_51 : memref<16x1024xf32, #tpu.memory_space<hbm>>) target_semaphore(%arg11 : memref<!tpu.dma_semaphore, #tpu.memory_space<semaphore_mem>>)
    %dma_wait3A_56 = arith.constant 1 : i32
    %dma_wait3A_57 = arith.constant 0 : i32
    %dma_wait3A_58 = arith.constant 0 : i32
    %dma_wait3A_59 = tpu.memref_slice %arg6[%dma_wait3A_56, %dma_wait3A_57, %dma_wait3A_58] : memref<4x16x1024xf32, #tpu.memory_space<vmem>> -> memref<1x16x1024xf32, #tpu.memory_space<vmem>>
    %dma_wait3A_60 = tpu.memref_squeeze %dma_wait3A_59 : memref<1x16x1024xf32, #tpu.memory_space<vmem>> -> memref<16x1024xf32, #tpu.memory_space<vmem>>
    %dma_wait3A_61 = arith.constant 16 : i32
    %dma_wait3A_62 = tpu.memref_slice %arg5[%dma_wait3A_61] : memref<1024xi32, #tpu.memory_space<vmem>> -> memref<16xi32, #tpu.memory_space<vmem>>
    %dma_wait3A_63 = arith.constant 0 : i32
    %dma_wait3A_64 = arith.constant 0 : i32
    %dma_wait3A_65 = tpu.memref_slice %arg3[%dma_wait3A_63, %dma_wait3A_64] : memref<8192x1024xf32, #tpu.memory_space<hbm>> -> memref<8192x1024xf32, #tpu.memory_space<hbm>>
    tpu.wait_indirect_dma semaphore(%arg8 : memref<!tpu.dma_semaphore, #tpu.memory_space<semaphore_mem>>) src(%dma_wait3A_65 : memref<8192x1024xf32, #tpu.memory_space<hbm>>) dst(%dma_wait3A_60 : memref<16x1024xf32, #tpu.memory_space<vmem>>)
    %dma_start3A_66 = arith.constant 3 : i32
    %dma_start3A_67 = arith.constant 0 : i32
    %dma_start3A_68 = arith.constant 0 : i32
    %dma_start3A_69 = tpu.memref_slice %arg6[%dma_start3A_66, %dma_start3A_67, %dma_start3A_68] : memref<4x16x1024xf32, #tpu.memory_space<vmem>> -> memref<1x16x1024xf32, #tpu.memory_space<vmem>>
    %dma_start3A_70 = tpu.memref_squeeze %dma_start3A_69 : memref<1x16x1024xf32, #tpu.memory_space<vmem>> -> memref<16x1024xf32, #tpu.memory_space<vmem>>
    %dma_start3A_71 = arith.constant 48 : i32
    %dma_start3A_72 = tpu.memref_slice %arg5[%dma_start3A_71] : memref<1024xi32, #tpu.memory_space<vmem>> -> memref<16xi32, #tpu.memory_space<vmem>>
    %dma_start3A_73 = arith.constant 0 : i32
    %dma_start3A_74 = arith.constant 0 : i32
    %dma_start3A_75 = tpu.memref_slice %arg3[%dma_start3A_73, %dma_start3A_74] : memref<8192x1024xf32, #tpu.memory_space<hbm>> -> memref<8192x1024xf32, #tpu.memory_space<hbm>>
    tpu.enqueue_indirect_dma source(%dma_start3A_75 : memref<8192x1024xf32, #tpu.memory_space<hbm>>) target(%dma_start3A_70 : memref<16x1024xf32, #tpu.memory_space<vmem>>) offsets(%dma_start3A_72 : memref<16xi32, #tpu.memory_space<vmem>>) semaphore(%arg10 : memref<!tpu.dma_semaphore, #tpu.memory_space<semaphore_mem>>)
    %add3A_76 = arith.constant 16 : i32
    %add3A_77 = arith.addi %mul3A_2, %add3A_76 : i32
    %dma_start3A_78 = arith.constant 1 : i32
    %dma_start3A_79 = arith.constant 0 : i32
    %dma_start3A_80 = arith.constant 0 : i32
    %dma_start3A_81 = tpu.memref_slice %arg6[%dma_start3A_78, %dma_start3A_79, %dma_start3A_80] : memref<4x16x1024xf32, #tpu.memory_space<vmem>> -> memref<1x16x1024xf32, #tpu.memory_space<vmem>>
    %dma_start3A_82 = tpu.memref_squeeze %dma_start3A_81 : memref<1x16x1024xf32, #tpu.memory_space<vmem>> -> memref<16x1024xf32, #tpu.memory_space<vmem>>
    %dma_start3A_83 = arith.constant 0 : i32
    %dma_start3A_84 = tpu.memref_slice %arg4[%add3A_77, %dma_start3A_83] : memref<32768x1024xf32, #tpu.memory_space<hbm>> -> memref<16x1024xf32, #tpu.memory_space<hbm>>
    %dma_start3A_85 = arith.constant 0 : i32
    %dma_start3A_86 = tpu.memref_slice %arg4[%add3A_77, %dma_start3A_85] : memref<32768x1024xf32, #tpu.memory_space<hbm>> -> memref<16x1024xf32, #tpu.memory_space<hbm>>
    %dma_start3A_87 = arith.constant 0 : i32
    %dma_start3A_88 = arith.constant 0 : i32
    %dma_start3A_89 = tpu.memref_slice %arg6[%dma_start3A_78, %dma_start3A_87, %dma_start3A_88] : memref<4x16x1024xf32, #tpu.memory_space<vmem>> -> memref<1x16x1024xf32, #tpu.memory_space<vmem>>
    %dma_start3A_90 = tpu.memref_squeeze %dma_start3A_89 : memref<1x16x1024xf32, #tpu.memory_space<vmem>> -> memref<16x1024xf32, #tpu.memory_space<vmem>>
    tpu.enqueue_dma source(%dma_start3A_90 : memref<16x1024xf32, #tpu.memory_space<vmem>>) target(%dma_start3A_86 : memref<16x1024xf32, #tpu.memory_space<hbm>>) target_semaphore(%arg12 : memref<!tpu.dma_semaphore, #tpu.memory_space<semaphore_mem>>)
    %dma_wait3A_91 = arith.constant 2 : i32
    %dma_wait3A_92 = arith.constant 0 : i32
    %dma_wait3A_93 = arith.constant 0 : i32
    %dma_wait3A_94 = tpu.memref_slice %arg6[%dma_wait3A_91, %dma_wait3A_92, %dma_wait3A_93] : memref<4x16x1024xf32, #tpu.memory_space<vmem>> -> memref<1x16x1024xf32, #tpu.memory_space<vmem>>
    %dma_wait3A_95 = tpu.memref_squeeze %dma_wait3A_94 : memref<1x16x1024xf32, #tpu.memory_space<vmem>> -> memref<16x1024xf32, #tpu.memory_space<vmem>>
    %dma_wait3A_96 = arith.constant 32 : i32
    %dma_wait3A_97 = tpu.memref_slice %arg5[%dma_wait3A_96] : memref<1024xi32, #tpu.memory_space<vmem>> -> memref<16xi32, #tpu.memory_space<vmem>>
    %dma_wait3A_98 = arith.constant 0 : i32
    %dma_wait3A_99 = arith.constant 0 : i32
    %dma_wait3A_100 = tpu.memref_slice %arg3[%dma_wait3A_98, %dma_wait3A_99] : memref<8192x1024xf32, #tpu.memory_space<hbm>> -> memref<8192x1024xf32, #tpu.memory_space<hbm>>
    tpu.wait_indirect_dma semaphore(%arg9 : memref<!tpu.dma_semaphore, #tpu.memory_space<semaphore_mem>>) src(%dma_wait3A_100 : memref<8192x1024xf32, #tpu.memory_space<hbm>>) dst(%dma_wait3A_95 : memref<16x1024xf32, #tpu.memory_space<vmem>>)
    %add3A_101 = arith.constant 0 : i32
    %add3A_102 = arith.addi %mul3A_2, %add3A_101 : i32
    %dma_wait3A_103 = arith.constant 0 : i32
    %dma_wait3A_104 = arith.constant 0 : i32
    %dma_wait3A_105 = arith.constant 0 : i32
    %dma_wait3A_106 = tpu.memref_slice %arg6[%dma_wait3A_103, %dma_wait3A_104, %dma_wait3A_105] : memref<4x16x1024xf32, #tpu.memory_space<vmem>> -> memref<1x16x1024xf32, #tpu.memory_space<vmem>>
    %dma_wait3A_107 = tpu.memref_squeeze %dma_wait3A_106 : memref<1x16x1024xf32, #tpu.memory_space<vmem>> -> memref<16x1024xf32, #tpu.memory_space<vmem>>
    %dma_wait3A_108 = arith.constant 0 : i32
    %dma_wait3A_109 = tpu.memref_slice %arg4[%add3A_102, %dma_wait3A_108] : memref<32768x1024xf32, #tpu.memory_space<hbm>> -> memref<16x1024xf32, #tpu.memory_space<hbm>>
    %dma_wait3A_110 = arith.constant 0 : i32
    %dma_wait3A_111 = tpu.memref_slice %arg4[%add3A_102, %dma_wait3A_110] : memref<32768x1024xf32, #tpu.memory_space<hbm>> -> memref<16x1024xf32, #tpu.memory_space<hbm>>
    %dma_wait3A_112 = arith.constant 0 : i32
    %dma_wait3A_113 = arith.constant 0 : i32
    %dma_wait3A_114 = tpu.memref_slice %arg6[%dma_wait3A_103, %dma_wait3A_112, %dma_wait3A_113] : memref<4x16x1024xf32, #tpu.memory_space<vmem>> -> memref<1x16x1024xf32, #tpu.memory_space<vmem>>
    %dma_wait3A_115 = tpu.memref_squeeze %dma_wait3A_114 : memref<1x16x1024xf32, #tpu.memory_space<vmem>> -> memref<16x1024xf32, #tpu.memory_space<vmem>>
    tpu.wait_dma2 semaphore(%arg11 : memref<!tpu.dma_semaphore, #tpu.memory_space<semaphore_mem>>) src(%dma_wait3A_115 : memref<16x1024xf32, #tpu.memory_space<vmem>>) dst(%dma_wait3A_111 : memref<16x1024xf32, #tpu.memory_space<hbm>>)
    %dma_start3A_116 = arith.constant 0 : i32
    %dma_start3A_117 = arith.constant 0 : i32
    %dma_start3A_118 = arith.constant 0 : i32
    %dma_start3A_119 = tpu.memref_slice %arg6[%dma_start3A_116, %dma_start3A_117, %dma_start3A_118] : memref<4x16x1024xf32, #tpu.memory_space<vmem>> -> memref<1x16x1024xf32, #tpu.memory_space<vmem>>
    %dma_start3A_120 = tpu.memref_squeeze %dma_start3A_119 : memref<1x16x1024xf32, #tpu.memory_space<vmem>> -> memref<16x1024xf32, #tpu.memory_space<vmem>>
    %dma_start3A_121 = arith.constant 64 : i32
    %dma_start3A_122 = tpu.memref_slice %arg5[%dma_start3A_121] : memref<1024xi32, #tpu.memory_space<vmem>> -> memref<16xi32, #tpu.memory_space<vmem>>
    %dma_start3A_123 = arith.constant 0 : i32
    %dma_start3A_124 = arith.constant 0 : i32
    %dma_start3A_125 = tpu.memref_slice %arg3[%dma_start3A_123, %dma_start3A_124] : memref<8192x1024xf32, #tpu.memory_space<hbm>> -> memref<8192x1024xf32, #tpu.memory_space<hbm>>
    tpu.enqueue_indirect_dma source(%dma_start3A_125 : memref<8192x1024xf32, #tpu.memory_space<hbm>>) target(%dma_start3A_120 : memref<16x1024xf32, #tpu.memory_space<vmem>>) offsets(%dma_start3A_122 : memref<16xi32, #tpu.memory_space<vmem>>) semaphore(%arg7 : memref<!tpu.dma_semaphore, #tpu.memory_space<semaphore_mem>>)
    %add3A_126 = arith.constant 32 : i32
    %add3A_127 = arith.addi %mul3A_2, %add3A_126 : i32
    %dma_start3A_128 = arith.constant 2 : i32
    %dma_start3A_129 = arith.constant 0 : i32
    %dma_start3A_130 = arith.constant 0 : i32
    %dma_start3A_131 = tpu.memref_slice %arg6[%dma_start3A_128, %dma_start3A_129, %dma_start3A_130] : memref<4x16x1024xf32, #tpu.memory_space<vmem>> -> memref<1x16x1024xf32, #tpu.memory_space<vmem>>
    %dma_start3A_132 = tpu.memref_squeeze %dma_start3A_131 : memref<1x16x1024xf32, #tpu.memory_space<vmem>> -> memref<16x1024xf32, #tpu.memory_space<vmem>>
    %dma_start3A_133 = arith.constant 0 : i32
    %dma_start3A_134 = tpu.memref_slice %arg4[%add3A_127, %dma_start3A_133] : memref<32768x1024xf32, #tpu.memory_space<hbm>> -> memref<16x1024xf32, #tpu.memory_space<hbm>>
    %dma_start3A_135 = arith.constant 0 : i32
    %dma_start3A_136 = tpu.memref_slice %arg4[%add3A_127, %dma_start3A_135] : memref<32768x1024xf32, #tpu.memory_space<hbm>> -> memref<16x1024xf32, #tpu.memory_space<hbm>>
    %dma_start3A_137 = arith.constant 0 : i32
    %dma_start3A_138 = arith.constant 0 : i32
    %dma_start3A_139 = tpu.memref_slice %arg6[%dma_start3A_128, %dma_start3A_137, %dma_start3A_138] : memref<4x16x1024xf32, #tpu.memory_space<vmem>> -> memref<1x16x1024xf32, #tpu.memory_space<vmem>>
    %dma_start3A_140 = tpu.memref_squeeze %dma_start3A_139 : memref<1x16x1024xf32, #tpu.memory_space<vmem>> -> memref<16x1024xf32, #tpu.memory_space<vmem>>
    tpu.enqueue_dma source(%dma_start3A_140 : memref<16x1024xf32, #tpu.memory_space<vmem>>) target(%dma_start3A_136 : memref<16x1024xf32, #tpu.memory_space<hbm>>) target_semaphore(%arg13 : memref<!tpu.dma_semaphore, #tpu.memory_space<semaphore_mem>>)
    %dma_wait3A_141 = arith.constant 3 : i32
    %dma_wait3A_142 = arith.constant 0 : i32
    %dma_wait3A_143 = arith.constant 0 : i32
    %dma_wait3A_144 = tpu.memref_slice %arg6[%dma_wait3A_141, %dma_wait3A_142, %dma_wait3A_143] : memref<4x16x1024xf32, #tpu.memory_space<vmem>> -> memref<1x16x1024xf32, #tpu.memory_space<vmem>>
    %dma_wait3A_145 = tpu.memref_squeeze %dma_wait3A_144 : memref<1x16x1024xf32, #tpu.memory_space<vmem>> -> memref<16x1024xf32, #tpu.memory_space<vmem>>
    %dma_wait3A_146 = arith.constant 48 : i32
    %dma_wait3A_147 = tpu.memref_slice %arg5[%dma_wait3A_146] : memref<1024xi32, #tpu.memory_space<vmem>> -> memref<16xi32, #tpu.memory_space<vmem>>
    %dma_wait3A_148 = arith.constant 0 : i32
    %dma_wait3A_149 = arith.constant 0 : i32
    %dma_wait3A_150 = tpu.memref_slice %arg3[%dma_wait3A_148, %dma_wait3A_149] : memref<8192x1024xf32, #tpu.memory_space<hbm>> -> memref<8192x1024xf32, #tpu.memory_space<hbm>>
    tpu.wait_indirect_dma semaphore(%arg10 : memref<!tpu.dma_semaphore, #tpu.memory_space<semaphore_mem>>) src(%dma_wait3A_150 : memref<8192x1024xf32, #tpu.memory_space<hbm>>) dst(%dma_wait3A_145 : memref<16x1024xf32, #tpu.memory_space<vmem>>)
    %add3A_151 = arith.constant 16 : i32
    %add3A_152 = arith.addi %mul3A_2, %add3A_151 : i32
    %dma_wait3A_153 = arith.constant 1 : i32
    %dma_wait3A_154 = arith.constant 0 : i32
    %dma_wait3A_155 = arith.constant 0 : i32
    %dma_wait3A_156 = tpu.memref_slice %arg6[%dma_wait3A_153, %dma_wait3A_154, %dma_wait3A_155] : memref<4x16x1024xf32, #tpu.memory_space<vmem>> -> memref<1x16x1024xf32, #tpu.memory_space<vmem>>
    %dma_wait3A_157 = tpu.memref_squeeze %dma_wait3A_156 : memref<1x16x1024xf32, #tpu.memory_space<vmem>> -> memref<16x1024xf32, #tpu.memory_space<vmem>>
    %dma_wait3A_158 = arith.constant 0 : i32
    %dma_wait3A_159 = tpu.memref_slice %arg4[%add3A_152, %dma_wait3A_158] : memref<32768x1024xf32, #tpu.memory_space<hbm>> -> memref<16x1024xf32, #tpu.memory_space<hbm>>
    %dma_wait3A_160 = arith.constant 0 : i32
    %dma_wait3A_161 = tpu.memref_slice %arg4[%add3A_152, %dma_wait3A_160] : memref<32768x1024xf32, #tpu.memory_space<hbm>> -> memref<16x1024xf32, #tpu.memory_space<hbm>>
    %dma_wait3A_162 = arith.constant 0 : i32
    %dma_wait3A_163 = arith.constant 0 : i32
    %dma_wait3A_164 = tpu.memref_slice %arg6[%dma_wait3A_153, %dma_wait3A_162, %dma_wait3A_163] : memref<4x16x1024xf32, #tpu.memory_space<vmem>> -> memref<1x16x1024xf32, #tpu.memory_space<vmem>>
    %dma_wait3A_165 = tpu.memref_squeeze %dma_wait3A_164 : memref<1x16x1024xf32, #tpu.memory_space<vmem>> -> memref<16x1024xf32, #tpu.memory_space<vmem>>
    tpu.wait_dma2 semaphore(%arg12 : memref<!tpu.dma_semaphore, #tpu.memory_space<semaphore_mem>>) src(%dma_wait3A_165 : memref<16x1024xf32, #tpu.memory_space<vmem>>) dst(%dma_wait3A_161 : memref<16x1024xf32, #tpu.memory_space<hbm>>)
    %dma_start3A_166 = arith.constant 1 : i32
    %dma_start3A_167 = arith.constant 0 : i32
    %dma_start3A_168 = arith.constant 0 : i32
    %dma_start3A_169 = tpu.memref_slice %arg6[%dma_start3A_166, %dma_start3A_167, %dma_start3A_168] : memref<4x16x1024xf32, #tpu.memory_space<vmem>> -> memref<1x16x1024xf32, #tpu.memory_space<vmem>>
    %dma_start3A_170 = tpu.memref_squeeze %dma_start3A_169 : memref<1x16x1024xf32, #tpu.memory_space<vmem>> -> memref<16x1024xf32, #tpu.memory_space<vmem>>
    %dma_start3A_171 = arith.constant 80 : i32
    %dma_start3A_172 = tpu.memref_slice %arg5[%dma_start3A_171] : memref<1024xi32, #tpu.memory_space<vmem>> -> memref<16xi32, #tpu.memory_space<vmem>>
    %dma_start3A_173 = arith.constant 0 : i32
    %dma_start3A_174 = arith.constant 0 : i32
    %dma_start3A_175 = tpu.memref_slice %arg3[%dma_start3A_173, %dma_start3A_174] : memref<8192x1024xf32, #tpu.memory_space<hbm>> -> memref<8192x1024xf32, #tpu.memory_space<hbm>>
    tpu.enqueue_indirect_dma source(%dma_start3A_175 : memref<8192x1024xf32, #tpu.memory_space<hbm>>) target(%dma_start3A_170 : memref<16x1024xf32, #tpu.memory_space<vmem>>) offsets(%dma_start3A_172 : memref<16xi32, #tpu.memory_space<vmem>>) semaphore(%arg8 : memref<!tpu.dma_semaphore, #tpu.memory_space<semaphore_mem>>)
    %add3A_176 = arith.constant 48 : i32
    %add3A_177 = arith.addi %mul3A_2, %add3A_176 : i32
    %dma_start3A_178 = arith.constant 3 : i32
    %dma_start3A_179 = arith.constant 0 : i32
    %dma_start3A_180 = arith.constant 0 : i32
    %dma_start3A_181 = tpu.memref_slice %arg6[%dma_start3A_178, %dma_start3A_179, %dma_start3A_180] : memref<4x16x1024xf32, #tpu.memory_space<vmem>> -> memref<1x16x1024xf32, #tpu.memory_space<vmem>>
    %dma_start3A_182 = tpu.memref_squeeze %dma_start3A_181 : memref<1x16x1024xf32, #tpu.memory_space<vmem>> -> memref<16x1024xf32, #tpu.memory_space<vmem>>
    %dma_start3A_183 = arith.constant 0 : i32
    %dma_start3A_184 = tpu.memref_slice %arg4[%add3A_177, %dma_start3A_183] : memref<32768x1024xf32, #tpu.memory_space<hbm>> -> memref<16x1024xf32, #tpu.memory_space<hbm>>
    %dma_start3A_185 = arith.constant 0 : i32
    %dma_start3A_186 = tpu.memref_slice %arg4[%add3A_177, %dma_start3A_185] : memref<32768x1024xf32, #tpu.memory_space<hbm>> -> memref<16x1024xf32, #tpu.memory_space<hbm>>
    %dma_start3A_187 = arith.constant 0 : i32
    %dma_start3A_188 = arith.constant 0 : i32
    %dma_start3A_189 = tpu.memref_slice %arg6[%dma_start3A_178, %dma_start3A_187, %dma_start3A_188] : memref<4x16x1024xf32, #tpu.memory_space<vmem>> -> memref<1x16x1024xf32, #tpu.memory_space<vmem>>
    %dma_start3A_190 = tpu.memref_squeeze %dma_start3A_189 : memref<1x16x1024xf32, #tpu.memory_space<vmem>> -> memref<16x1024xf32, #tpu.memory_space<vmem>>
    tpu.enqueue_dma source(%dma_start3A_190 : memref<16x1024xf32, #tpu.memory_space<vmem>>) target(%dma_start3A_186 : memref<16x1024xf32, #tpu.memory_space<hbm>>) target_semaphore(%arg14 : memref<!tpu.dma_semaphore, #tpu.memory_space<semaphore_mem>>)
    %scan3A = arith.constant 0 : i32
    %scan3A_191 = arith.constant 0 : i32
    %scan3A_192 = arith.constant 14 : i32
    %scan3A_193 = arith.addi %scan3A_191, %scan3A_192 : i32
    %scan3A_194 = arith.constant 1 : i32
    scf.for %scan3A_406 = %scan3A_191 to %scan3A_193 step %scan3A_194  : i32 {
      %add3A_407 = arith.constant 1 : i32
      %add3A_408 = arith.addi %scan3A_406, %add3A_407 : i32
      %mul3A_409 = arith.constant 4 : i32
      %mul3A_410 = arith.muli %add3A_408, %mul3A_409 : i32
      %add3A_411 = arith.constant 0 : i32
      %add3A_412 = arith.addi %mul3A_410, %add3A_411 : i32
      %mul3A_413 = arith.constant 16 : i32
      %mul3A_414 = arith.muli %add3A_412, %mul3A_413 : i32
      %dma_wait3A_415 = arith.constant 0 : i32
      %dma_wait3A_416 = arith.constant 0 : i32
      %dma_wait3A_417 = arith.constant 0 : i32
      %dma_wait3A_418 = tpu.memref_slice %arg6[%dma_wait3A_415, %dma_wait3A_416, %dma_wait3A_417] : memref<4x16x1024xf32, #tpu.memory_space<vmem>> -> memref<1x16x1024xf32, #tpu.memory_space<vmem>>
      %dma_wait3A_419 = tpu.memref_squeeze %dma_wait3A_418 : memref<1x16x1024xf32, #tpu.memory_space<vmem>> -> memref<16x1024xf32, #tpu.memory_space<vmem>>
      %dma_wait3A_420 = tpu.memref_slice %arg5[%mul3A_414] : memref<1024xi32, #tpu.memory_space<vmem>> -> memref<16xi32, #tpu.memory_space<vmem>>
      %dma_wait3A_421 = arith.constant 0 : i32
      %dma_wait3A_422 = arith.constant 0 : i32
      %dma_wait3A_423 = tpu.memref_slice %arg3[%dma_wait3A_421, %dma_wait3A_422] : memref<8192x1024xf32, #tpu.memory_space<hbm>> -> memref<8192x1024xf32, #tpu.memory_space<hbm>>
      tpu.wait_indirect_dma semaphore(%arg7 : memref<!tpu.dma_semaphore, #tpu.memory_space<semaphore_mem>>) src(%dma_wait3A_423 : memref<8192x1024xf32, #tpu.memory_space<hbm>>) dst(%dma_wait3A_419 : memref<16x1024xf32, #tpu.memory_space<vmem>>)
      %sub3A = arith.constant 2 : i32
      %sub3A_424 = arith.subi %add3A_412, %sub3A : i32
      %mul3A_425 = arith.constant 16 : i32
      %mul3A_426 = arith.muli %sub3A_424, %mul3A_425 : i32
      %add3A_427 = arith.addi %mul3A_2, %mul3A_426 : i32
      %dma_wait3A_428 = arith.constant 2 : i32
      %dma_wait3A_429 = arith.constant 0 : i32
      %dma_wait3A_430 = arith.constant 0 : i32
      %dma_wait3A_431 = tpu.memref_slice %arg6[%dma_wait3A_428, %dma_wait3A_429, %dma_wait3A_430] : memref<4x16x1024xf32, #tpu.memory_space<vmem>> -> memref<1x16x1024xf32, #tpu.memory_space<vmem>>
      %dma_wait3A_432 = tpu.memref_squeeze %dma_wait3A_431 : memref<1x16x1024xf32, #tpu.memory_space<vmem>> -> memref<16x1024xf32, #tpu.memory_space<vmem>>
      %dma_wait3A_433 = arith.constant 0 : i32
      %dma_wait3A_434 = tpu.memref_slice %arg4[%add3A_427, %dma_wait3A_433] : memref<32768x1024xf32, #tpu.memory_space<hbm>> -> memref<16x1024xf32, #tpu.memory_space<hbm>>
      %dma_wait3A_435 = arith.constant 0 : i32
      %dma_wait3A_436 = tpu.memref_slice %arg4[%add3A_427, %dma_wait3A_435] : memref<32768x1024xf32, #tpu.memory_space<hbm>> -> memref<16x1024xf32, #tpu.memory_space<hbm>>
      %dma_wait3A_437 = arith.constant 0 : i32
      %dma_wait3A_438 = arith.constant 0 : i32
      %dma_wait3A_439 = tpu.memref_slice %arg6[%dma_wait3A_428, %dma_wait3A_437, %dma_wait3A_438] : memref<4x16x1024xf32, #tpu.memory_space<vmem>> -> memref<1x16x1024xf32, #tpu.memory_space<vmem>>
      %dma_wait3A_440 = tpu.memref_squeeze %dma_wait3A_439 : memref<1x16x1024xf32, #tpu.memory_space<vmem>> -> memref<16x1024xf32, #tpu.memory_space<vmem>>
      tpu.wait_dma2 semaphore(%arg13 : memref<!tpu.dma_semaphore, #tpu.memory_space<semaphore_mem>>) src(%dma_wait3A_440 : memref<16x1024xf32, #tpu.memory_space<vmem>>) dst(%dma_wait3A_436 : memref<16x1024xf32, #tpu.memory_space<hbm>>)
      %add3A_441 = arith.constant 2 : i32
      %add3A_442 = arith.addi %add3A_412, %add3A_441 : i32
      %mul3A_443 = arith.constant 16 : i32
      %mul3A_444 = arith.muli %add3A_442, %mul3A_443 : i32
      %dma_start3A_445 = arith.constant 2 : i32
      %dma_start3A_446 = arith.constant 0 : i32
      %dma_start3A_447 = arith.constant 0 : i32
      %dma_start3A_448 = tpu.memref_slice %arg6[%dma_start3A_445, %dma_start3A_446, %dma_start3A_447] : memref<4x16x1024xf32, #tpu.memory_space<vmem>> -> memref<1x16x1024xf32, #tpu.memory_space<vmem>>
      %dma_start3A_449 = tpu.memref_squeeze %dma_start3A_448 : memref<1x16x1024xf32, #tpu.memory_space<vmem>> -> memref<16x1024xf32, #tpu.memory_space<vmem>>
      %dma_start3A_450 = tpu.memref_slice %arg5[%mul3A_444] : memref<1024xi32, #tpu.memory_space<vmem>> -> memref<16xi32, #tpu.memory_space<vmem>>
      %dma_start3A_451 = arith.constant 0 : i32
      %dma_start3A_452 = arith.constant 0 : i32
      %dma_start3A_453 = tpu.memref_slice %arg3[%dma_start3A_451, %dma_start3A_452] : memref<8192x1024xf32, #tpu.memory_space<hbm>> -> memref<8192x1024xf32, #tpu.memory_space<hbm>>
      tpu.enqueue_indirect_dma source(%dma_start3A_453 : memref<8192x1024xf32, #tpu.memory_space<hbm>>) target(%dma_start3A_449 : memref<16x1024xf32, #tpu.memory_space<vmem>>) offsets(%dma_start3A_450 : memref<16xi32, #tpu.memory_space<vmem>>) semaphore(%arg9 : memref<!tpu.dma_semaphore, #tpu.memory_space<semaphore_mem>>)
      %mul3A_454 = arith.constant 16 : i32
      %mul3A_455 = arith.muli %add3A_412, %mul3A_454 : i32
      %add3A_456 = arith.addi %mul3A_2, %mul3A_455 : i32
      %dma_start3A_457 = arith.constant 0 : i32
      %dma_start3A_458 = arith.constant 0 : i32
      %dma_start3A_459 = arith.constant 0 : i32
      %dma_start3A_460 = tpu.memref_slice %arg6[%dma_start3A_457, %dma_start3A_458, %dma_start3A_459] : memref<4x16x1024xf32, #tpu.memory_space<vmem>> -> memref<1x16x1024xf32, #tpu.memory_space<vmem>>
      %dma_start3A_461 = tpu.memref_squeeze %dma_start3A_460 : memref<1x16x1024xf32, #tpu.memory_space<vmem>> -> memref<16x1024xf32, #tpu.memory_space<vmem>>
      %dma_start3A_462 = arith.constant 0 : i32
      %dma_start3A_463 = tpu.memref_slice %arg4[%add3A_456, %dma_start3A_462] : memref<32768x1024xf32, #tpu.memory_space<hbm>> -> memref<16x1024xf32, #tpu.memory_space<hbm>>
      %dma_start3A_464 = arith.constant 0 : i32
      %dma_start3A_465 = tpu.memref_slice %arg4[%add3A_456, %dma_start3A_464] : memref<32768x1024xf32, #tpu.memory_space<hbm>> -> memref<16x1024xf32, #tpu.memory_space<hbm>>
      %dma_start3A_466 = arith.constant 0 : i32
      %dma_start3A_467 = arith.constant 0 : i32
      %dma_start3A_468 = tpu.memref_slice %arg6[%dma_start3A_457, %dma_start3A_466, %dma_start3A_467] : memref<4x16x1024xf32, #tpu.memory_space<vmem>> -> memref<1x16x1024xf32, #tpu.memory_space<vmem>>
      %dma_start3A_469 = tpu.memref_squeeze %dma_start3A_468 : memref<1x16x1024xf32, #tpu.memory_space<vmem>> -> memref<16x1024xf32, #tpu.memory_space<vmem>>
      tpu.enqueue_dma source(%dma_start3A_469 : memref<16x1024xf32, #tpu.memory_space<vmem>>) target(%dma_start3A_465 : memref<16x1024xf32, #tpu.memory_space<hbm>>) target_semaphore(%arg11 : memref<!tpu.dma_semaphore, #tpu.memory_space<semaphore_mem>>)
      %add3A_470 = arith.constant 1 : i32
      %add3A_471 = arith.addi %mul3A_410, %add3A_470 : i32
      %mul3A_472 = arith.constant 16 : i32
      %mul3A_473 = arith.muli %add3A_471, %mul3A_472 : i32
      %dma_wait3A_474 = arith.constant 1 : i32
      %dma_wait3A_475 = arith.constant 0 : i32
      %dma_wait3A_476 = arith.constant 0 : i32
      %dma_wait3A_477 = tpu.memref_slice %arg6[%dma_wait3A_474, %dma_wait3A_475, %dma_wait3A_476] : memref<4x16x1024xf32, #tpu.memory_space<vmem>> -> memref<1x16x1024xf32, #tpu.memory_space<vmem>>
      %dma_wait3A_478 = tpu.memref_squeeze %dma_wait3A_477 : memref<1x16x1024xf32, #tpu.memory_space<vmem>> -> memref<16x1024xf32, #tpu.memory_space<vmem>>
      %dma_wait3A_479 = tpu.memref_slice %arg5[%mul3A_473] : memref<1024xi32, #tpu.memory_space<vmem>> -> memref<16xi32, #tpu.memory_space<vmem>>
      %dma_wait3A_480 = arith.constant 0 : i32
      %dma_wait3A_481 = arith.constant 0 : i32
      %dma_wait3A_482 = tpu.memref_slice %arg3[%dma_wait3A_480, %dma_wait3A_481] : memref<8192x1024xf32, #tpu.memory_space<hbm>> -> memref<8192x1024xf32, #tpu.memory_space<hbm>>
      tpu.wait_indirect_dma semaphore(%arg8 : memref<!tpu.dma_semaphore, #tpu.memory_space<semaphore_mem>>) src(%dma_wait3A_482 : memref<8192x1024xf32, #tpu.memory_space<hbm>>) dst(%dma_wait3A_478 : memref<16x1024xf32, #tpu.memory_space<vmem>>)
      %sub3A_483 = arith.constant 2 : i32
      %sub3A_484 = arith.subi %add3A_471, %sub3A_483 : i32
      %mul3A_485 = arith.constant 16 : i32
      %mul3A_486 = arith.muli %sub3A_484, %mul3A_485 : i32
      %add3A_487 = arith.addi %mul3A_2, %mul3A_486 : i32
      %dma_wait3A_488 = arith.constant 3 : i32
      %dma_wait3A_489 = arith.constant 0 : i32
      %dma_wait3A_490 = arith.constant 0 : i32
      %dma_wait3A_491 = tpu.memref_slice %arg6[%dma_wait3A_488, %dma_wait3A_489, %dma_wait3A_490] : memref<4x16x1024xf32, #tpu.memory_space<vmem>> -> memref<1x16x1024xf32, #tpu.memory_space<vmem>>
      %dma_wait3A_492 = tpu.memref_squeeze %dma_wait3A_491 : memref<1x16x1024xf32, #tpu.memory_space<vmem>> -> memref<16x1024xf32, #tpu.memory_space<vmem>>
      %dma_wait3A_493 = arith.constant 0 : i32
      %dma_wait3A_494 = tpu.memref_slice %arg4[%add3A_487, %dma_wait3A_493] : memref<32768x1024xf32, #tpu.memory_space<hbm>> -> memref<16x1024xf32, #tpu.memory_space<hbm>>
      %dma_wait3A_495 = arith.constant 0 : i32
      %dma_wait3A_496 = tpu.memref_slice %arg4[%add3A_487, %dma_wait3A_495] : memref<32768x1024xf32, #tpu.memory_space<hbm>> -> memref<16x1024xf32, #tpu.memory_space<hbm>>
      %dma_wait3A_497 = arith.constant 0 : i32
      %dma_wait3A_498 = arith.constant 0 : i32
      %dma_wait3A_499 = tpu.memref_slice %arg6[%dma_wait3A_488, %dma_wait3A_497, %dma_wait3A_498] : memref<4x16x1024xf32, #tpu.memory_space<vmem>> -> memref<1x16x1024xf32, #tpu.memory_space<vmem>>
      %dma_wait3A_500 = tpu.memref_squeeze %dma_wait3A_499 : memref<1x16x1024xf32, #tpu.memory_space<vmem>> -> memref<16x1024xf32, #tpu.memory_space<vmem>>
      tpu.wait_dma2 semaphore(%arg14 : memref<!tpu.dma_semaphore, #tpu.memory_space<semaphore_mem>>) src(%dma_wait3A_500 : memref<16x1024xf32, #tpu.memory_space<vmem>>) dst(%dma_wait3A_496 : memref<16x1024xf32, #tpu.memory_space<hbm>>)
      %add3A_501 = arith.constant 2 : i32
      %add3A_502 = arith.addi %add3A_471, %add3A_501 : i32
      %mul3A_503 = arith.constant 16 : i32
      %mul3A_504 = arith.muli %add3A_502, %mul3A_503 : i32
      %dma_start3A_505 = arith.constant 3 : i32
      %dma_start3A_506 = arith.constant 0 : i32
      %dma_start3A_507 = arith.constant 0 : i32
      %dma_start3A_508 = tpu.memref_slice %arg6[%dma_start3A_505, %dma_start3A_506, %dma_start3A_507] : memref<4x16x1024xf32, #tpu.memory_space<vmem>> -> memref<1x16x1024xf32, #tpu.memory_space<vmem>>
      %dma_start3A_509 = tpu.memref_squeeze %dma_start3A_508 : memref<1x16x1024xf32, #tpu.memory_space<vmem>> -> memref<16x1024xf32, #tpu.memory_space<vmem>>
      %dma_start3A_510 = tpu.memref_slice %arg5[%mul3A_504] : memref<1024xi32, #tpu.memory_space<vmem>> -> memref<16xi32, #tpu.memory_space<vmem>>
      %dma_start3A_511 = arith.constant 0 : i32
      %dma_start3A_512 = arith.constant 0 : i32
      %dma_start3A_513 = tpu.memref_slice %arg3[%dma_start3A_511, %dma_start3A_512] : memref<8192x1024xf32, #tpu.memory_space<hbm>> -> memref<8192x1024xf32, #tpu.memory_space<hbm>>
      tpu.enqueue_indirect_dma source(%dma_start3A_513 : memref<8192x1024xf32, #tpu.memory_space<hbm>>) target(%dma_start3A_509 : memref<16x1024xf32, #tpu.memory_space<vmem>>) offsets(%dma_start3A_510 : memref<16xi32, #tpu.memory_space<vmem>>) semaphore(%arg10 : memref<!tpu.dma_semaphore, #tpu.memory_space<semaphore_mem>>)
      %mul3A_514 = arith.constant 16 : i32
      %mul3A_515 = arith.muli %add3A_471, %mul3A_514 : i32
      %add3A_516 = arith.addi %mul3A_2, %mul3A_515 : i32
      %dma_start3A_517 = arith.constant 1 : i32
      %dma_start3A_518 = arith.constant 0 : i32
      %dma_start3A_519 = arith.constant 0 : i32
      %dma_start3A_520 = tpu.memref_slice %arg6[%dma_start3A_517, %dma_start3A_518, %dma_start3A_519] : memref<4x16x1024xf32, #tpu.memory_space<vmem>> -> memref<1x16x1024xf32, #tpu.memory_space<vmem>>
      %dma_start3A_521 = tpu.memref_squeeze %dma_start3A_520 : memref<1x16x1024xf32, #tpu.memory_space<vmem>> -> memref<16x1024xf32, #tpu.memory_space<vmem>>
      %dma_start3A_522 = arith.constant 0 : i32
      %dma_start3A_523 = tpu.memref_slice %arg4[%add3A_516, %dma_start3A_522] : memref<32768x1024xf32, #tpu.memory_space<hbm>> -> memref<16x1024xf32, #tpu.memory_space<hbm>>
      %dma_start3A_524 = arith.constant 0 : i32
      %dma_start3A_525 = tpu.memref_slice %arg4[%add3A_516, %dma_start3A_524] : memref<32768x1024xf32, #tpu.memory_space<hbm>> -> memref<16x1024xf32, #tpu.memory_space<hbm>>
      %dma_start3A_526 = arith.constant 0 : i32
      %dma_start3A_527 = arith.constant 0 : i32
      %dma_start3A_528 = tpu.memref_slice %arg6[%dma_start3A_517, %dma_start3A_526, %dma_start3A_527] : memref<4x16x1024xf32, #tpu.memory_space<vmem>> -> memref<1x16x1024xf32, #tpu.memory_space<vmem>>
      %dma_start3A_529 = tpu.memref_squeeze %dma_start3A_528 : memref<1x16x1024xf32, #tpu.memory_space<vmem>> -> memref<16x1024xf32, #tpu.memory_space<vmem>>
      tpu.enqueue_dma source(%dma_start3A_529 : memref<16x1024xf32, #tpu.memory_space<vmem>>) target(%dma_start3A_525 : memref<16x1024xf32, #tpu.memory_space<hbm>>) target_semaphore(%arg12 : memref<!tpu.dma_semaphore, #tpu.memory_space<semaphore_mem>>)
      %add3A_530 = arith.constant 2 : i32
      %add3A_531 = arith.addi %mul3A_410, %add3A_530 : i32
      %mul3A_532 = arith.constant 16 : i32
      %mul3A_533 = arith.muli %add3A_531, %mul3A_532 : i32
      %dma_wait3A_534 = arith.constant 2 : i32
      %dma_wait3A_535 = arith.constant 0 : i32
      %dma_wait3A_536 = arith.constant 0 : i32
      %dma_wait3A_537 = tpu.memref_slice %arg6[%dma_wait3A_534, %dma_wait3A_535, %dma_wait3A_536] : memref<4x16x1024xf32, #tpu.memory_space<vmem>> -> memref<1x16x1024xf32, #tpu.memory_space<vmem>>
      %dma_wait3A_538 = tpu.memref_squeeze %dma_wait3A_537 : memref<1x16x1024xf32, #tpu.memory_space<vmem>> -> memref<16x1024xf32, #tpu.memory_space<vmem>>
      %dma_wait3A_539 = tpu.memref_slice %arg5[%mul3A_533] : memref<1024xi32, #tpu.memory_space<vmem>> -> memref<16xi32, #tpu.memory_space<vmem>>
      %dma_wait3A_540 = arith.constant 0 : i32
      %dma_wait3A_541 = arith.constant 0 : i32
      %dma_wait3A_542 = tpu.memref_slice %arg3[%dma_wait3A_540, %dma_wait3A_541] : memref<8192x1024xf32, #tpu.memory_space<hbm>> -> memref<8192x1024xf32, #tpu.memory_space<hbm>>
      tpu.wait_indirect_dma semaphore(%arg9 : memref<!tpu.dma_semaphore, #tpu.memory_space<semaphore_mem>>) src(%dma_wait3A_542 : memref<8192x1024xf32, #tpu.memory_space<hbm>>) dst(%dma_wait3A_538 : memref<16x1024xf32, #tpu.memory_space<vmem>>)
      %sub3A_543 = arith.constant 2 : i32
      %sub3A_544 = arith.subi %add3A_531, %sub3A_543 : i32
      %mul3A_545 = arith.constant 16 : i32
      %mul3A_546 = arith.muli %sub3A_544, %mul3A_545 : i32
      %add3A_547 = arith.addi %mul3A_2, %mul3A_546 : i32
      %dma_wait3A_548 = arith.constant 0 : i32
      %dma_wait3A_549 = arith.constant 0 : i32
      %dma_wait3A_550 = arith.constant 0 : i32
      %dma_wait3A_551 = tpu.memref_slice %arg6[%dma_wait3A_548, %dma_wait3A_549, %dma_wait3A_550] : memref<4x16x1024xf32, #tpu.memory_space<vmem>> -> memref<1x16x1024xf32, #tpu.memory_space<vmem>>
      %dma_wait3A_552 = tpu.memref_squeeze %dma_wait3A_551 : memref<1x16x1024xf32, #tpu.memory_space<vmem>> -> memref<16x1024xf32, #tpu.memory_space<vmem>>
      %dma_wait3A_553 = arith.constant 0 : i32
      %dma_wait3A_554 = tpu.memref_slice %arg4[%add3A_547, %dma_wait3A_553] : memref<32768x1024xf32, #tpu.memory_space<hbm>> -> memref<16x1024xf32, #tpu.memory_space<hbm>>
      %dma_wait3A_555 = arith.constant 0 : i32
      %dma_wait3A_556 = tpu.memref_slice %arg4[%add3A_547, %dma_wait3A_555] : memref<32768x1024xf32, #tpu.memory_space<hbm>> -> memref<16x1024xf32, #tpu.memory_space<hbm>>
      %dma_wait3A_557 = arith.constant 0 : i32
      %dma_wait3A_558 = arith.constant 0 : i32
      %dma_wait3A_559 = tpu.memref_slice %arg6[%dma_wait3A_548, %dma_wait3A_557, %dma_wait3A_558] : memref<4x16x1024xf32, #tpu.memory_space<vmem>> -> memref<1x16x1024xf32, #tpu.memory_space<vmem>>
      %dma_wait3A_560 = tpu.memref_squeeze %dma_wait3A_559 : memref<1x16x1024xf32, #tpu.memory_space<vmem>> -> memref<16x1024xf32, #tpu.memory_space<vmem>>
      tpu.wait_dma2 semaphore(%arg11 : memref<!tpu.dma_semaphore, #tpu.memory_space<semaphore_mem>>) src(%dma_wait3A_560 : memref<16x1024xf32, #tpu.memory_space<vmem>>) dst(%dma_wait3A_556 : memref<16x1024xf32, #tpu.memory_space<hbm>>)
      %add3A_561 = arith.constant 2 : i32
      %add3A_562 = arith.addi %add3A_531, %add3A_561 : i32
      %mul3A_563 = arith.constant 16 : i32
      %mul3A_564 = arith.muli %add3A_562, %mul3A_563 : i32
      %dma_start3A_565 = arith.constant 0 : i32
      %dma_start3A_566 = arith.constant 0 : i32
      %dma_start3A_567 = arith.constant 0 : i32
      %dma_start3A_568 = tpu.memref_slice %arg6[%dma_start3A_565, %dma_start3A_566, %dma_start3A_567] : memref<4x16x1024xf32, #tpu.memory_space<vmem>> -> memref<1x16x1024xf32, #tpu.memory_space<vmem>>
      %dma_start3A_569 = tpu.memref_squeeze %dma_start3A_568 : memref<1x16x1024xf32, #tpu.memory_space<vmem>> -> memref<16x1024xf32, #tpu.memory_space<vmem>>
      %dma_start3A_570 = tpu.memref_slice %arg5[%mul3A_564] : memref<1024xi32, #tpu.memory_space<vmem>> -> memref<16xi32, #tpu.memory_space<vmem>>
      %dma_start3A_571 = arith.constant 0 : i32
      %dma_start3A_572 = arith.constant 0 : i32
      %dma_start3A_573 = tpu.memref_slice %arg3[%dma_start3A_571, %dma_start3A_572] : memref<8192x1024xf32, #tpu.memory_space<hbm>> -> memref<8192x1024xf32, #tpu.memory_space<hbm>>
      tpu.enqueue_indirect_dma source(%dma_start3A_573 : memref<8192x1024xf32, #tpu.memory_space<hbm>>) target(%dma_start3A_569 : memref<16x1024xf32, #tpu.memory_space<vmem>>) offsets(%dma_start3A_570 : memref<16xi32, #tpu.memory_space<vmem>>) semaphore(%arg7 : memref<!tpu.dma_semaphore, #tpu.memory_space<semaphore_mem>>)
      %mul3A_574 = arith.constant 16 : i32
      %mul3A_575 = arith.muli %add3A_531, %mul3A_574 : i32
      %add3A_576 = arith.addi %mul3A_2, %mul3A_575 : i32
      %dma_start3A_577 = arith.constant 2 : i32
      %dma_start3A_578 = arith.constant 0 : i32
      %dma_start3A_579 = arith.constant 0 : i32
      %dma_start3A_580 = tpu.memref_slice %arg6[%dma_start3A_577, %dma_start3A_578, %dma_start3A_579] : memref<4x16x1024xf32, #tpu.memory_space<vmem>> -> memref<1x16x1024xf32, #tpu.memory_space<vmem>>
      %dma_start3A_581 = tpu.memref_squeeze %dma_start3A_580 : memref<1x16x1024xf32, #tpu.memory_space<vmem>> -> memref<16x1024xf32, #tpu.memory_space<vmem>>
      %dma_start3A_582 = arith.constant 0 : i32
      %dma_start3A_583 = tpu.memref_slice %arg4[%add3A_576, %dma_start3A_582] : memref<32768x1024xf32, #tpu.memory_space<hbm>> -> memref<16x1024xf32, #tpu.memory_space<hbm>>
      %dma_start3A_584 = arith.constant 0 : i32
      %dma_start3A_585 = tpu.memref_slice %arg4[%add3A_576, %dma_start3A_584] : memref<32768x1024xf32, #tpu.memory_space<hbm>> -> memref<16x1024xf32, #tpu.memory_space<hbm>>
      %dma_start3A_586 = arith.constant 0 : i32
      %dma_start3A_587 = arith.constant 0 : i32
      %dma_start3A_588 = tpu.memref_slice %arg6[%dma_start3A_577, %dma_start3A_586, %dma_start3A_587] : memref<4x16x1024xf32, #tpu.memory_space<vmem>> -> memref<1x16x1024xf32, #tpu.memory_space<vmem>>
      %dma_start3A_589 = tpu.memref_squeeze %dma_start3A_588 : memref<1x16x1024xf32, #tpu.memory_space<vmem>> -> memref<16x1024xf32, #tpu.memory_space<vmem>>
      tpu.enqueue_dma source(%dma_start3A_589 : memref<16x1024xf32, #tpu.memory_space<vmem>>) target(%dma_start3A_585 : memref<16x1024xf32, #tpu.memory_space<hbm>>) target_semaphore(%arg13 : memref<!tpu.dma_semaphore, #tpu.memory_space<semaphore_mem>>)
      %add3A_590 = arith.constant 3 : i32
      %add3A_591 = arith.addi %mul3A_410, %add3A_590 : i32
      %mul3A_592 = arith.constant 16 : i32
      %mul3A_593 = arith.muli %add3A_591, %mul3A_592 : i32
      %dma_wait3A_594 = arith.constant 3 : i32
      %dma_wait3A_595 = arith.constant 0 : i32
      %dma_wait3A_596 = arith.constant 0 : i32
      %dma_wait3A_597 = tpu.memref_slice %arg6[%dma_wait3A_594, %dma_wait3A_595, %dma_wait3A_596] : memref<4x16x1024xf32, #tpu.memory_space<vmem>> -> memref<1x16x1024xf32, #tpu.memory_space<vmem>>
      %dma_wait3A_598 = tpu.memref_squeeze %dma_wait3A_597 : memref<1x16x1024xf32, #tpu.memory_space<vmem>> -> memref<16x1024xf32, #tpu.memory_space<vmem>>
      %dma_wait3A_599 = tpu.memref_slice %arg5[%mul3A_593] : memref<1024xi32, #tpu.memory_space<vmem>> -> memref<16xi32, #tpu.memory_space<vmem>>
      %dma_wait3A_600 = arith.constant 0 : i32
      %dma_wait3A_601 = arith.constant 0 : i32
      %dma_wait3A_602 = tpu.memref_slice %arg3[%dma_wait3A_600, %dma_wait3A_601] : memref<8192x1024xf32, #tpu.memory_space<hbm>> -> memref<8192x1024xf32, #tpu.memory_space<hbm>>
      tpu.wait_indirect_dma semaphore(%arg10 : memref<!tpu.dma_semaphore, #tpu.memory_space<semaphore_mem>>) src(%dma_wait3A_602 : memref<8192x1024xf32, #tpu.memory_space<hbm>>) dst(%dma_wait3A_598 : memref<16x1024xf32, #tpu.memory_space<vmem>>)
      %sub3A_603 = arith.constant 2 : i32
      %sub3A_604 = arith.subi %add3A_591, %sub3A_603 : i32
      %mul3A_605 = arith.constant 16 : i32
      %mul3A_606 = arith.muli %sub3A_604, %mul3A_605 : i32
      %add3A_607 = arith.addi %mul3A_2, %mul3A_606 : i32
      %dma_wait3A_608 = arith.constant 1 : i32
      %dma_wait3A_609 = arith.constant 0 : i32
      %dma_wait3A_610 = arith.constant 0 : i32
      %dma_wait3A_611 = tpu.memref_slice %arg6[%dma_wait3A_608, %dma_wait3A_609, %dma_wait3A_610] : memref<4x16x1024xf32, #tpu.memory_space<vmem>> -> memref<1x16x1024xf32, #tpu.memory_space<vmem>>
      %dma_wait3A_612 = tpu.memref_squeeze %dma_wait3A_611 : memref<1x16x1024xf32, #tpu.memory_space<vmem>> -> memref<16x1024xf32, #tpu.memory_space<vmem>>
      %dma_wait3A_613 = arith.constant 0 : i32
      %dma_wait3A_614 = tpu.memref_slice %arg4[%add3A_607, %dma_wait3A_613] : memref<32768x1024xf32, #tpu.memory_space<hbm>> -> memref<16x1024xf32, #tpu.memory_space<hbm>>
      %dma_wait3A_615 = arith.constant 0 : i32
      %dma_wait3A_616 = tpu.memref_slice %arg4[%add3A_607, %dma_wait3A_615] : memref<32768x1024xf32, #tpu.memory_space<hbm>> -> memref<16x1024xf32, #tpu.memory_space<hbm>>
      %dma_wait3A_617 = arith.constant 0 : i32
      %dma_wait3A_618 = arith.constant 0 : i32
      %dma_wait3A_619 = tpu.memref_slice %arg6[%dma_wait3A_608, %dma_wait3A_617, %dma_wait3A_618] : memref<4x16x1024xf32, #tpu.memory_space<vmem>> -> memref<1x16x1024xf32, #tpu.memory_space<vmem>>
      %dma_wait3A_620 = tpu.memref_squeeze %dma_wait3A_619 : memref<1x16x1024xf32, #tpu.memory_space<vmem>> -> memref<16x1024xf32, #tpu.memory_space<vmem>>
      tpu.wait_dma2 semaphore(%arg12 : memref<!tpu.dma_semaphore, #tpu.memory_space<semaphore_mem>>) src(%dma_wait3A_620 : memref<16x1024xf32, #tpu.memory_space<vmem>>) dst(%dma_wait3A_616 : memref<16x1024xf32, #tpu.memory_space<hbm>>)
      %add3A_621 = arith.constant 2 : i32
      %add3A_622 = arith.addi %add3A_591, %add3A_621 : i32
      %mul3A_623 = arith.constant 16 : i32
      %mul3A_624 = arith.muli %add3A_622, %mul3A_623 : i32
      %dma_start3A_625 = arith.constant 1 : i32
      %dma_start3A_626 = arith.constant 0 : i32
      %dma_start3A_627 = arith.constant 0 : i32
      %dma_start3A_628 = tpu.memref_slice %arg6[%dma_start3A_625, %dma_start3A_626, %dma_start3A_627] : memref<4x16x1024xf32, #tpu.memory_space<vmem>> -> memref<1x16x1024xf32, #tpu.memory_space<vmem>>
      %dma_start3A_629 = tpu.memref_squeeze %dma_start3A_628 : memref<1x16x1024xf32, #tpu.memory_space<vmem>> -> memref<16x1024xf32, #tpu.memory_space<vmem>>
      %dma_start3A_630 = tpu.memref_slice %arg5[%mul3A_624] : memref<1024xi32, #tpu.memory_space<vmem>> -> memref<16xi32, #tpu.memory_space<vmem>>
      %dma_start3A_631 = arith.constant 0 : i32
      %dma_start3A_632 = arith.constant 0 : i32
      %dma_start3A_633 = tpu.memref_slice %arg3[%dma_start3A_631, %dma_start3A_632] : memref<8192x1024xf32, #tpu.memory_space<hbm>> -> memref<8192x1024xf32, #tpu.memory_space<hbm>>
      tpu.enqueue_indirect_dma source(%dma_start3A_633 : memref<8192x1024xf32, #tpu.memory_space<hbm>>) target(%dma_start3A_629 : memref<16x1024xf32, #tpu.memory_space<vmem>>) offsets(%dma_start3A_630 : memref<16xi32, #tpu.memory_space<vmem>>) semaphore(%arg8 : memref<!tpu.dma_semaphore, #tpu.memory_space<semaphore_mem>>)
      %mul3A_634 = arith.constant 16 : i32
      %mul3A_635 = arith.muli %add3A_591, %mul3A_634 : i32
      %add3A_636 = arith.addi %mul3A_2, %mul3A_635 : i32
      %dma_start3A_637 = arith.constant 3 : i32
      %dma_start3A_638 = arith.constant 0 : i32
      %dma_start3A_639 = arith.constant 0 : i32
      %dma_start3A_640 = tpu.memref_slice %arg6[%dma_start3A_637, %dma_start3A_638, %dma_start3A_639] : memref<4x16x1024xf32, #tpu.memory_space<vmem>> -> memref<1x16x1024xf32, #tpu.memory_space<vmem>>
      %dma_start3A_641 = tpu.memref_squeeze %dma_start3A_640 : memref<1x16x1024xf32, #tpu.memory_space<vmem>> -> memref<16x1024xf32, #tpu.memory_space<vmem>>
      %dma_start3A_642 = arith.constant 0 : i32
      %dma_start3A_643 = tpu.memref_slice %arg4[%add3A_636, %dma_start3A_642] : memref<32768x1024xf32, #tpu.memory_space<hbm>> -> memref<16x1024xf32, #tpu.memory_space<hbm>>
      %dma_start3A_644 = arith.constant 0 : i32
      %dma_start3A_645 = tpu.memref_slice %arg4[%add3A_636, %dma_start3A_644] : memref<32768x1024xf32, #tpu.memory_space<hbm>> -> memref<16x1024xf32, #tpu.memory_space<hbm>>
      %dma_start3A_646 = arith.constant 0 : i32
      %dma_start3A_647 = arith.constant 0 : i32
      %dma_start3A_648 = tpu.memref_slice %arg6[%dma_start3A_637, %dma_start3A_646, %dma_start3A_647] : memref<4x16x1024xf32, #tpu.memory_space<vmem>> -> memref<1x16x1024xf32, #tpu.memory_space<vmem>>
      %dma_start3A_649 = tpu.memref_squeeze %dma_start3A_648 : memref<1x16x1024xf32, #tpu.memory_space<vmem>> -> memref<16x1024xf32, #tpu.memory_space<vmem>>
      tpu.enqueue_dma source(%dma_start3A_649 : memref<16x1024xf32, #tpu.memory_space<vmem>>) target(%dma_start3A_645 : memref<16x1024xf32, #tpu.memory_space<hbm>>) target_semaphore(%arg14 : memref<!tpu.dma_semaphore, #tpu.memory_space<semaphore_mem>>)
    }
    %scan3A_195 = arith.constant 14 : i32
    %dma_wait3A_196 = arith.constant 0 : i32
    %dma_wait3A_197 = arith.constant 0 : i32
    %dma_wait3A_198 = arith.constant 0 : i32
    %dma_wait3A_199 = tpu.memref_slice %arg6[%dma_wait3A_196, %dma_wait3A_197, %dma_wait3A_198] : memref<4x16x1024xf32, #tpu.memory_space<vmem>> -> memref<1x16x1024xf32, #tpu.memory_space<vmem>>
    %dma_wait3A_200 = tpu.memref_squeeze %dma_wait3A_199 : memref<1x16x1024xf32, #tpu.memory_space<vmem>> -> memref<16x1024xf32, #tpu.memory_space<vmem>>
    %dma_wait3A_201 = arith.constant 960 : i32
    %dma_wait3A_202 = tpu.memref_slice %arg5[%dma_wait3A_201] : memref<1024xi32, #tpu.memory_space<vmem>> -> memref<16xi32, #tpu.memory_space<vmem>>
    %dma_wait3A_203 = arith.constant 0 : i32
    %dma_wait3A_204 = arith.constant 0 : i32
    %dma_wait3A_205 = tpu.memref_slice %arg3[%dma_wait3A_203, %dma_wait3A_204] : memref<8192x1024xf32, #tpu.memory_space<hbm>> -> memref<8192x1024xf32, #tpu.memory_space<hbm>>
    tpu.wait_indirect_dma semaphore(%arg7 : memref<!tpu.dma_semaphore, #tpu.memory_space<semaphore_mem>>) src(%dma_wait3A_205 : memref<8192x1024xf32, #tpu.memory_space<hbm>>) dst(%dma_wait3A_200 : memref<16x1024xf32, #tpu.memory_space<vmem>>)
    %add3A_206 = arith.constant 928 : i32
    %add3A_207 = arith.addi %mul3A_2, %add3A_206 : i32
    %dma_wait3A_208 = arith.constant 2 : i32
    %dma_wait3A_209 = arith.constant 0 : i32
    %dma_wait3A_210 = arith.constant 0 : i32
    %dma_wait3A_211 = tpu.memref_slice %arg6[%dma_wait3A_208, %dma_wait3A_209, %dma_wait3A_210] : memref<4x16x1024xf32, #tpu.memory_space<vmem>> -> memref<1x16x1024xf32, #tpu.memory_space<vmem>>
    %dma_wait3A_212 = tpu.memref_squeeze %dma_wait3A_211 : memref<1x16x1024xf32, #tpu.memory_space<vmem>> -> memref<16x1024xf32, #tpu.memory_space<vmem>>
    %dma_wait3A_213 = arith.constant 0 : i32
    %dma_wait3A_214 = tpu.memref_slice %arg4[%add3A_207, %dma_wait3A_213] : memref<32768x1024xf32, #tpu.memory_space<hbm>> -> memref<16x1024xf32, #tpu.memory_space<hbm>>
    %dma_wait3A_215 = arith.constant 0 : i32
    %dma_wait3A_216 = tpu.memref_slice %arg4[%add3A_207, %dma_wait3A_215] : memref<32768x1024xf32, #tpu.memory_space<hbm>> -> memref<16x1024xf32, #tpu.memory_space<hbm>>
    %dma_wait3A_217 = arith.constant 0 : i32
    %dma_wait3A_218 = arith.constant 0 : i32
    %dma_wait3A_219 = tpu.memref_slice %arg6[%dma_wait3A_208, %dma_wait3A_217, %dma_wait3A_218] : memref<4x16x1024xf32, #tpu.memory_space<vmem>> -> memref<1x16x1024xf32, #tpu.memory_space<vmem>>
    %dma_wait3A_220 = tpu.memref_squeeze %dma_wait3A_219 : memref<1x16x1024xf32, #tpu.memory_space<vmem>> -> memref<16x1024xf32, #tpu.memory_space<vmem>>
    tpu.wait_dma2 semaphore(%arg13 : memref<!tpu.dma_semaphore, #tpu.memory_space<semaphore_mem>>) src(%dma_wait3A_220 : memref<16x1024xf32, #tpu.memory_space<vmem>>) dst(%dma_wait3A_216 : memref<16x1024xf32, #tpu.memory_space<hbm>>)
    %dma_start3A_221 = arith.constant 2 : i32
    %dma_start3A_222 = arith.constant 0 : i32
    %dma_start3A_223 = arith.constant 0 : i32
    %dma_start3A_224 = tpu.memref_slice %arg6[%dma_start3A_221, %dma_start3A_222, %dma_start3A_223] : memref<4x16x1024xf32, #tpu.memory_space<vmem>> -> memref<1x16x1024xf32, #tpu.memory_space<vmem>>
    %dma_start3A_225 = tpu.memref_squeeze %dma_start3A_224 : memref<1x16x1024xf32, #tpu.memory_space<vmem>> -> memref<16x1024xf32, #tpu.memory_space<vmem>>
    %dma_start3A_226 = arith.constant 992 : i32
    %dma_start3A_227 = tpu.memref_slice %arg5[%dma_start3A_226] : memref<1024xi32, #tpu.memory_space<vmem>> -> memref<16xi32, #tpu.memory_space<vmem>>
    %dma_start3A_228 = arith.constant 0 : i32
    %dma_start3A_229 = arith.constant 0 : i32
    %dma_start3A_230 = tpu.memref_slice %arg3[%dma_start3A_228, %dma_start3A_229] : memref<8192x1024xf32, #tpu.memory_space<hbm>> -> memref<8192x1024xf32, #tpu.memory_space<hbm>>
    tpu.enqueue_indirect_dma source(%dma_start3A_230 : memref<8192x1024xf32, #tpu.memory_space<hbm>>) target(%dma_start3A_225 : memref<16x1024xf32, #tpu.memory_space<vmem>>) offsets(%dma_start3A_227 : memref<16xi32, #tpu.memory_space<vmem>>) semaphore(%arg9 : memref<!tpu.dma_semaphore, #tpu.memory_space<semaphore_mem>>)
    %add3A_231 = arith.constant 960 : i32
    %add3A_232 = arith.addi %mul3A_2, %add3A_231 : i32
    %dma_start3A_233 = arith.constant 0 : i32
    %dma_start3A_234 = arith.constant 0 : i32
    %dma_start3A_235 = arith.constant 0 : i32
    %dma_start3A_236 = tpu.memref_slice %arg6[%dma_start3A_233, %dma_start3A_234, %dma_start3A_235] : memref<4x16x1024xf32, #tpu.memory_space<vmem>> -> memref<1x16x1024xf32, #tpu.memory_space<vmem>>
    %dma_start3A_237 = tpu.memref_squeeze %dma_start3A_236 : memref<1x16x1024xf32, #tpu.memory_space<vmem>> -> memref<16x1024xf32, #tpu.memory_space<vmem>>
    %dma_start3A_238 = arith.constant 0 : i32
    %dma_start3A_239 = tpu.memref_slice %arg4[%add3A_232, %dma_start3A_238] : memref<32768x1024xf32, #tpu.memory_space<hbm>> -> memref<16x1024xf32, #tpu.memory_space<hbm>>
    %dma_start3A_240 = arith.constant 0 : i32
    %dma_start3A_241 = tpu.memref_slice %arg4[%add3A_232, %dma_start3A_240] : memref<32768x1024xf32, #tpu.memory_space<hbm>> -> memref<16x1024xf32, #tpu.memory_space<hbm>>
    %dma_start3A_242 = arith.constant 0 : i32
    %dma_start3A_243 = arith.constant 0 : i32
    %dma_start3A_244 = tpu.memref_slice %arg6[%dma_start3A_233, %dma_start3A_242, %dma_start3A_243] : memref<4x16x1024xf32, #tpu.memory_space<vmem>> -> memref<1x16x1024xf32, #tpu.memory_space<vmem>>
    %dma_start3A_245 = tpu.memref_squeeze %dma_start3A_244 : memref<1x16x1024xf32, #tpu.memory_space<vmem>> -> memref<16x1024xf32, #tpu.memory_space<vmem>>
    tpu.enqueue_dma source(%dma_start3A_245 : memref<16x1024xf32, #tpu.memory_space<vmem>>) target(%dma_start3A_241 : memref<16x1024xf32, #tpu.memory_space<hbm>>) target_semaphore(%arg11 : memref<!tpu.dma_semaphore, #tpu.memory_space<semaphore_mem>>)
    %dma_wait3A_246 = arith.constant 1 : i32
    %dma_wait3A_247 = arith.constant 0 : i32
    %dma_wait3A_248 = arith.constant 0 : i32
    %dma_wait3A_249 = tpu.memref_slice %arg6[%dma_wait3A_246, %dma_wait3A_247, %dma_wait3A_248] : memref<4x16x1024xf32, #tpu.memory_space<vmem>> -> memref<1x16x1024xf32, #tpu.memory_space<vmem>>
    %dma_wait3A_250 = tpu.memref_squeeze %dma_wait3A_249 : memref<1x16x1024xf32, #tpu.memory_space<vmem>> -> memref<16x1024xf32, #tpu.memory_space<vmem>>
    %dma_wait3A_251 = arith.constant 976 : i32
    %dma_wait3A_252 = tpu.memref_slice %arg5[%dma_wait3A_251] : memref<1024xi32, #tpu.memory_space<vmem>> -> memref<16xi32, #tpu.memory_space<vmem>>
    %dma_wait3A_253 = arith.constant 0 : i32
    %dma_wait3A_254 = arith.constant 0 : i32
    %dma_wait3A_255 = tpu.memref_slice %arg3[%dma_wait3A_253, %dma_wait3A_254] : memref<8192x1024xf32, #tpu.memory_space<hbm>> -> memref<8192x1024xf32, #tpu.memory_space<hbm>>
    tpu.wait_indirect_dma semaphore(%arg8 : memref<!tpu.dma_semaphore, #tpu.memory_space<semaphore_mem>>) src(%dma_wait3A_255 : memref<8192x1024xf32, #tpu.memory_space<hbm>>) dst(%dma_wait3A_250 : memref<16x1024xf32, #tpu.memory_space<vmem>>)
    %add3A_256 = arith.constant 944 : i32
    %add3A_257 = arith.addi %mul3A_2, %add3A_256 : i32
    %dma_wait3A_258 = arith.constant 3 : i32
    %dma_wait3A_259 = arith.constant 0 : i32
    %dma_wait3A_260 = arith.constant 0 : i32
    %dma_wait3A_261 = tpu.memref_slice %arg6[%dma_wait3A_258, %dma_wait3A_259, %dma_wait3A_260] : memref<4x16x1024xf32, #tpu.memory_space<vmem>> -> memref<1x16x1024xf32, #tpu.memory_space<vmem>>
    %dma_wait3A_262 = tpu.memref_squeeze %dma_wait3A_261 : memref<1x16x1024xf32, #tpu.memory_space<vmem>> -> memref<16x1024xf32, #tpu.memory_space<vmem>>
    %dma_wait3A_263 = arith.constant 0 : i32
    %dma_wait3A_264 = tpu.memref_slice %arg4[%add3A_257, %dma_wait3A_263] : memref<32768x1024xf32, #tpu.memory_space<hbm>> -> memref<16x1024xf32, #tpu.memory_space<hbm>>
    %dma_wait3A_265 = arith.constant 0 : i32
    %dma_wait3A_266 = tpu.memref_slice %arg4[%add3A_257, %dma_wait3A_265] : memref<32768x1024xf32, #tpu.memory_space<hbm>> -> memref<16x1024xf32, #tpu.memory_space<hbm>>
    %dma_wait3A_267 = arith.constant 0 : i32
    %dma_wait3A_268 = arith.constant 0 : i32
    %dma_wait3A_269 = tpu.memref_slice %arg6[%dma_wait3A_258, %dma_wait3A_267, %dma_wait3A_268] : memref<4x16x1024xf32, #tpu.memory_space<vmem>> -> memref<1x16x1024xf32, #tpu.memory_space<vmem>>
    %dma_wait3A_270 = tpu.memref_squeeze %dma_wait3A_269 : memref<1x16x1024xf32, #tpu.memory_space<vmem>> -> memref<16x1024xf32, #tpu.memory_space<vmem>>
    tpu.wait_dma2 semaphore(%arg14 : memref<!tpu.dma_semaphore, #tpu.memory_space<semaphore_mem>>) src(%dma_wait3A_270 : memref<16x1024xf32, #tpu.memory_space<vmem>>) dst(%dma_wait3A_266 : memref<16x1024xf32, #tpu.memory_space<hbm>>)
    %dma_start3A_271 = arith.constant 3 : i32
    %dma_start3A_272 = arith.constant 0 : i32
    %dma_start3A_273 = arith.constant 0 : i32
    %dma_start3A_274 = tpu.memref_slice %arg6[%dma_start3A_271, %dma_start3A_272, %dma_start3A_273] : memref<4x16x1024xf32, #tpu.memory_space<vmem>> -> memref<1x16x1024xf32, #tpu.memory_space<vmem>>
    %dma_start3A_275 = tpu.memref_squeeze %dma_start3A_274 : memref<1x16x1024xf32, #tpu.memory_space<vmem>> -> memref<16x1024xf32, #tpu.memory_space<vmem>>
    %dma_start3A_276 = arith.constant 1008 : i32
    %dma_start3A_277 = tpu.memref_slice %arg5[%dma_start3A_276] : memref<1024xi32, #tpu.memory_space<vmem>> -> memref<16xi32, #tpu.memory_space<vmem>>
    %dma_start3A_278 = arith.constant 0 : i32
    %dma_start3A_279 = arith.constant 0 : i32
    %dma_start3A_280 = tpu.memref_slice %arg3[%dma_start3A_278, %dma_start3A_279] : memref<8192x1024xf32, #tpu.memory_space<hbm>> -> memref<8192x1024xf32, #tpu.memory_space<hbm>>
    tpu.enqueue_indirect_dma source(%dma_start3A_280 : memref<8192x1024xf32, #tpu.memory_space<hbm>>) target(%dma_start3A_275 : memref<16x1024xf32, #tpu.memory_space<vmem>>) offsets(%dma_start3A_277 : memref<16xi32, #tpu.memory_space<vmem>>) semaphore(%arg10 : memref<!tpu.dma_semaphore, #tpu.memory_space<semaphore_mem>>)
    %add3A_281 = arith.constant 976 : i32
    %add3A_282 = arith.addi %mul3A_2, %add3A_281 : i32
    %dma_start3A_283 = arith.constant 1 : i32
    %dma_start3A_284 = arith.constant 0 : i32
    %dma_start3A_285 = arith.constant 0 : i32
    %dma_start3A_286 = tpu.memref_slice %arg6[%dma_start3A_283, %dma_start3A_284, %dma_start3A_285] : memref<4x16x1024xf32, #tpu.memory_space<vmem>> -> memref<1x16x1024xf32, #tpu.memory_space<vmem>>
    %dma_start3A_287 = tpu.memref_squeeze %dma_start3A_286 : memref<1x16x1024xf32, #tpu.memory_space<vmem>> -> memref<16x1024xf32, #tpu.memory_space<vmem>>
    %dma_start3A_288 = arith.constant 0 : i32
    %dma_start3A_289 = tpu.memref_slice %arg4[%add3A_282, %dma_start3A_288] : memref<32768x1024xf32, #tpu.memory_space<hbm>> -> memref<16x1024xf32, #tpu.memory_space<hbm>>
    %dma_start3A_290 = arith.constant 0 : i32
    %dma_start3A_291 = tpu.memref_slice %arg4[%add3A_282, %dma_start3A_290] : memref<32768x1024xf32, #tpu.memory_space<hbm>> -> memref<16x1024xf32, #tpu.memory_space<hbm>>
    %dma_start3A_292 = arith.constant 0 : i32
    %dma_start3A_293 = arith.constant 0 : i32
    %dma_start3A_294 = tpu.memref_slice %arg6[%dma_start3A_283, %dma_start3A_292, %dma_start3A_293] : memref<4x16x1024xf32, #tpu.memory_space<vmem>> -> memref<1x16x1024xf32, #tpu.memory_space<vmem>>
    %dma_start3A_295 = tpu.memref_squeeze %dma_start3A_294 : memref<1x16x1024xf32, #tpu.memory_space<vmem>> -> memref<16x1024xf32, #tpu.memory_space<vmem>>
    tpu.enqueue_dma source(%dma_start3A_295 : memref<16x1024xf32, #tpu.memory_space<vmem>>) target(%dma_start3A_291 : memref<16x1024xf32, #tpu.memory_space<hbm>>) target_semaphore(%arg12 : memref<!tpu.dma_semaphore, #tpu.memory_space<semaphore_mem>>)
    %dma_wait3A_296 = arith.constant 2 : i32
    %dma_wait3A_297 = arith.constant 0 : i32
    %dma_wait3A_298 = arith.constant 0 : i32
    %dma_wait3A_299 = tpu.memref_slice %arg6[%dma_wait3A_296, %dma_wait3A_297, %dma_wait3A_298] : memref<4x16x1024xf32, #tpu.memory_space<vmem>> -> memref<1x16x1024xf32, #tpu.memory_space<vmem>>
    %dma_wait3A_300 = tpu.memref_squeeze %dma_wait3A_299 : memref<1x16x1024xf32, #tpu.memory_space<vmem>> -> memref<16x1024xf32, #tpu.memory_space<vmem>>
    %dma_wait3A_301 = arith.constant 992 : i32
    %dma_wait3A_302 = tpu.memref_slice %arg5[%dma_wait3A_301] : memref<1024xi32, #tpu.memory_space<vmem>> -> memref<16xi32, #tpu.memory_space<vmem>>
    %dma_wait3A_303 = arith.constant 0 : i32
    %dma_wait3A_304 = arith.constant 0 : i32
    %dma_wait3A_305 = tpu.memref_slice %arg3[%dma_wait3A_303, %dma_wait3A_304] : memref<8192x1024xf32, #tpu.memory_space<hbm>> -> memref<8192x1024xf32, #tpu.memory_space<hbm>>
    tpu.wait_indirect_dma semaphore(%arg9 : memref<!tpu.dma_semaphore, #tpu.memory_space<semaphore_mem>>) src(%dma_wait3A_305 : memref<8192x1024xf32, #tpu.memory_space<hbm>>) dst(%dma_wait3A_300 : memref<16x1024xf32, #tpu.memory_space<vmem>>)
    %add3A_306 = arith.constant 960 : i32
    %add3A_307 = arith.addi %mul3A_2, %add3A_306 : i32
    %dma_wait3A_308 = arith.constant 0 : i32
    %dma_wait3A_309 = arith.constant 0 : i32
    %dma_wait3A_310 = arith.constant 0 : i32
    %dma_wait3A_311 = tpu.memref_slice %arg6[%dma_wait3A_308, %dma_wait3A_309, %dma_wait3A_310] : memref<4x16x1024xf32, #tpu.memory_space<vmem>> -> memref<1x16x1024xf32, #tpu.memory_space<vmem>>
    %dma_wait3A_312 = tpu.memref_squeeze %dma_wait3A_311 : memref<1x16x1024xf32, #tpu.memory_space<vmem>> -> memref<16x1024xf32, #tpu.memory_space<vmem>>
    %dma_wait3A_313 = arith.constant 0 : i32
    %dma_wait3A_314 = tpu.memref_slice %arg4[%add3A_307, %dma_wait3A_313] : memref<32768x1024xf32, #tpu.memory_space<hbm>> -> memref<16x1024xf32, #tpu.memory_space<hbm>>
    %dma_wait3A_315 = arith.constant 0 : i32
    %dma_wait3A_316 = tpu.memref_slice %arg4[%add3A_307, %dma_wait3A_315] : memref<32768x1024xf32, #tpu.memory_space<hbm>> -> memref<16x1024xf32, #tpu.memory_space<hbm>>
    %dma_wait3A_317 = arith.constant 0 : i32
    %dma_wait3A_318 = arith.constant 0 : i32
    %dma_wait3A_319 = tpu.memref_slice %arg6[%dma_wait3A_308, %dma_wait3A_317, %dma_wait3A_318] : memref<4x16x1024xf32, #tpu.memory_space<vmem>> -> memref<1x16x1024xf32, #tpu.memory_space<vmem>>
    %dma_wait3A_320 = tpu.memref_squeeze %dma_wait3A_319 : memref<1x16x1024xf32, #tpu.memory_space<vmem>> -> memref<16x1024xf32, #tpu.memory_space<vmem>>
    tpu.wait_dma2 semaphore(%arg11 : memref<!tpu.dma_semaphore, #tpu.memory_space<semaphore_mem>>) src(%dma_wait3A_320 : memref<16x1024xf32, #tpu.memory_space<vmem>>) dst(%dma_wait3A_316 : memref<16x1024xf32, #tpu.memory_space<hbm>>)
    %add3A_321 = arith.constant 992 : i32
    %add3A_322 = arith.addi %mul3A_2, %add3A_321 : i32
    %dma_start3A_323 = arith.constant 2 : i32
    %dma_start3A_324 = arith.constant 0 : i32
    %dma_start3A_325 = arith.constant 0 : i32
    %dma_start3A_326 = tpu.memref_slice %arg6[%dma_start3A_323, %dma_start3A_324, %dma_start3A_325] : memref<4x16x1024xf32, #tpu.memory_space<vmem>> -> memref<1x16x1024xf32, #tpu.memory_space<vmem>>
    %dma_start3A_327 = tpu.memref_squeeze %dma_start3A_326 : memref<1x16x1024xf32, #tpu.memory_space<vmem>> -> memref<16x1024xf32, #tpu.memory_space<vmem>>
    %dma_start3A_328 = arith.constant 0 : i32
    %dma_start3A_329 = tpu.memref_slice %arg4[%add3A_322, %dma_start3A_328] : memref<32768x1024xf32, #tpu.memory_space<hbm>> -> memref<16x1024xf32, #tpu.memory_space<hbm>>
    %dma_start3A_330 = arith.constant 0 : i32
    %dma_start3A_331 = tpu.memref_slice %arg4[%add3A_322, %dma_start3A_330] : memref<32768x1024xf32, #tpu.memory_space<hbm>> -> memref<16x1024xf32, #tpu.memory_space<hbm>>
    %dma_start3A_332 = arith.constant 0 : i32
    %dma_start3A_333 = arith.constant 0 : i32
    %dma_start3A_334 = tpu.memref_slice %arg6[%dma_start3A_323, %dma_start3A_332, %dma_start3A_333] : memref<4x16x1024xf32, #tpu.memory_space<vmem>> -> memref<1x16x1024xf32, #tpu.memory_space<vmem>>
    %dma_start3A_335 = tpu.memref_squeeze %dma_start3A_334 : memref<1x16x1024xf32, #tpu.memory_space<vmem>> -> memref<16x1024xf32, #tpu.memory_space<vmem>>
    tpu.enqueue_dma source(%dma_start3A_335 : memref<16x1024xf32, #tpu.memory_space<vmem>>) target(%dma_start3A_331 : memref<16x1024xf32, #tpu.memory_space<hbm>>) target_semaphore(%arg13 : memref<!tpu.dma_semaphore, #tpu.memory_space<semaphore_mem>>)
    %dma_wait3A_336 = arith.constant 3 : i32
    %dma_wait3A_337 = arith.constant 0 : i32
    %dma_wait3A_338 = arith.constant 0 : i32
    %dma_wait3A_339 = tpu.memref_slice %arg6[%dma_wait3A_336, %dma_wait3A_337, %dma_wait3A_338] : memref<4x16x1024xf32, #tpu.memory_space<vmem>> -> memref<1x16x1024xf32, #tpu.memory_space<vmem>>
    %dma_wait3A_340 = tpu.memref_squeeze %dma_wait3A_339 : memref<1x16x1024xf32, #tpu.memory_space<vmem>> -> memref<16x1024xf32, #tpu.memory_space<vmem>>
    %dma_wait3A_341 = arith.constant 1008 : i32
    %dma_wait3A_342 = tpu.memref_slice %arg5[%dma_wait3A_341] : memref<1024xi32, #tpu.memory_space<vmem>> -> memref<16xi32, #tpu.memory_space<vmem>>
    %dma_wait3A_343 = arith.constant 0 : i32
    %dma_wait3A_344 = arith.constant 0 : i32
    %dma_wait3A_345 = tpu.memref_slice %arg3[%dma_wait3A_343, %dma_wait3A_344] : memref<8192x1024xf32, #tpu.memory_space<hbm>> -> memref<8192x1024xf32, #tpu.memory_space<hbm>>
    tpu.wait_indirect_dma semaphore(%arg10 : memref<!tpu.dma_semaphore, #tpu.memory_space<semaphore_mem>>) src(%dma_wait3A_345 : memref<8192x1024xf32, #tpu.memory_space<hbm>>) dst(%dma_wait3A_340 : memref<16x1024xf32, #tpu.memory_space<vmem>>)
    %add3A_346 = arith.constant 976 : i32
    %add3A_347 = arith.addi %mul3A_2, %add3A_346 : i32
    %dma_wait3A_348 = arith.constant 1 : i32
    %dma_wait3A_349 = arith.constant 0 : i32
    %dma_wait3A_350 = arith.constant 0 : i32
    %dma_wait3A_351 = tpu.memref_slice %arg6[%dma_wait3A_348, %dma_wait3A_349, %dma_wait3A_350] : memref<4x16x1024xf32, #tpu.memory_space<vmem>> -> memref<1x16x1024xf32, #tpu.memory_space<vmem>>
    %dma_wait3A_352 = tpu.memref_squeeze %dma_wait3A_351 : memref<1x16x1024xf32, #tpu.memory_space<vmem>> -> memref<16x1024xf32, #tpu.memory_space<vmem>>
    %dma_wait3A_353 = arith.constant 0 : i32
    %dma_wait3A_354 = tpu.memref_slice %arg4[%add3A_347, %dma_wait3A_353] : memref<32768x1024xf32, #tpu.memory_space<hbm>> -> memref<16x1024xf32, #tpu.memory_space<hbm>>
    %dma_wait3A_355 = arith.constant 0 : i32
    %dma_wait3A_356 = tpu.memref_slice %arg4[%add3A_347, %dma_wait3A_355] : memref<32768x1024xf32, #tpu.memory_space<hbm>> -> memref<16x1024xf32, #tpu.memory_space<hbm>>
    %dma_wait3A_357 = arith.constant 0 : i32
    %dma_wait3A_358 = arith.constant 0 : i32
    %dma_wait3A_359 = tpu.memref_slice %arg6[%dma_wait3A_348, %dma_wait3A_357, %dma_wait3A_358] : memref<4x16x1024xf32, #tpu.memory_space<vmem>> -> memref<1x16x1024xf32, #tpu.memory_space<vmem>>
    %dma_wait3A_360 = tpu.memref_squeeze %dma_wait3A_359 : memref<1x16x1024xf32, #tpu.memory_space<vmem>> -> memref<16x1024xf32, #tpu.memory_space<vmem>>
    tpu.wait_dma2 semaphore(%arg12 : memref<!tpu.dma_semaphore, #tpu.memory_space<semaphore_mem>>) src(%dma_wait3A_360 : memref<16x1024xf32, #tpu.memory_space<vmem>>) dst(%dma_wait3A_356 : memref<16x1024xf32, #tpu.memory_space<hbm>>)
    %add3A_361 = arith.constant 1008 : i32
    %add3A_362 = arith.addi %mul3A_2, %add3A_361 : i32
    %dma_start3A_363 = arith.constant 3 : i32
    %dma_start3A_364 = arith.constant 0 : i32
    %dma_start3A_365 = arith.constant 0 : i32
    %dma_start3A_366 = tpu.memref_slice %arg6[%dma_start3A_363, %dma_start3A_364, %dma_start3A_365] : memref<4x16x1024xf32, #tpu.memory_space<vmem>> -> memref<1x16x1024xf32, #tpu.memory_space<vmem>>
    %dma_start3A_367 = tpu.memref_squeeze %dma_start3A_366 : memref<1x16x1024xf32, #tpu.memory_space<vmem>> -> memref<16x1024xf32, #tpu.memory_space<vmem>>
    %dma_start3A_368 = arith.constant 0 : i32
    %dma_start3A_369 = tpu.memref_slice %arg4[%add3A_362, %dma_start3A_368] : memref<32768x1024xf32, #tpu.memory_space<hbm>> -> memref<16x1024xf32, #tpu.memory_space<hbm>>
    %dma_start3A_370 = arith.constant 0 : i32
    %dma_start3A_371 = tpu.memref_slice %arg4[%add3A_362, %dma_start3A_370] : memref<32768x1024xf32, #tpu.memory_space<hbm>> -> memref<16x1024xf32, #tpu.memory_space<hbm>>
    %dma_start3A_372 = arith.constant 0 : i32
    %dma_start3A_373 = arith.constant 0 : i32
    %dma_start3A_374 = tpu.memref_slice %arg6[%dma_start3A_363, %dma_start3A_372, %dma_start3A_373] : memref<4x16x1024xf32, #tpu.memory_space<vmem>> -> memref<1x16x1024xf32, #tpu.memory_space<vmem>>
    %dma_start3A_375 = tpu.memref_squeeze %dma_start3A_374 : memref<1x16x1024xf32, #tpu.memory_space<vmem>> -> memref<16x1024xf32, #tpu.memory_space<vmem>>
    tpu.enqueue_dma source(%dma_start3A_375 : memref<16x1024xf32, #tpu.memory_space<vmem>>) target(%dma_start3A_371 : memref<16x1024xf32, #tpu.memory_space<hbm>>) target_semaphore(%arg14 : memref<!tpu.dma_semaphore, #tpu.memory_space<semaphore_mem>>)
    %add3A_376 = arith.constant 992 : i32
    %add3A_377 = arith.addi %mul3A_2, %add3A_376 : i32
    %dma_wait3A_378 = arith.constant 2 : i32
    %dma_wait3A_379 = arith.constant 0 : i32
    %dma_wait3A_380 = arith.constant 0 : i32
    %dma_wait3A_381 = tpu.memref_slice %arg6[%dma_wait3A_378, %dma_wait3A_379, %dma_wait3A_380] : memref<4x16x1024xf32, #tpu.memory_space<vmem>> -> memref<1x16x1024xf32, #tpu.memory_space<vmem>>
    %dma_wait3A_382 = tpu.memref_squeeze %dma_wait3A_381 : memref<1x16x1024xf32, #tpu.memory_space<vmem>> -> memref<16x1024xf32, #tpu.memory_space<vmem>>
    %dma_wait3A_383 = arith.constant 0 : i32
    %dma_wait3A_384 = tpu.memref_slice %arg4[%add3A_377, %dma_wait3A_383] : memref<32768x1024xf32, #tpu.memory_space<hbm>> -> memref<16x1024xf32, #tpu.memory_space<hbm>>
    %dma_wait3A_385 = arith.constant 0 : i32
    %dma_wait3A_386 = tpu.memref_slice %arg4[%add3A_377, %dma_wait3A_385] : memref<32768x1024xf32, #tpu.memory_space<hbm>> -> memref<16x1024xf32, #tpu.memory_space<hbm>>
    %dma_wait3A_387 = arith.constant 0 : i32
    %dma_wait3A_388 = arith.constant 0 : i32
    %dma_wait3A_389 = tpu.memref_slice %arg6[%dma_wait3A_378, %dma_wait3A_387, %dma_wait3A_388] : memref<4x16x1024xf32, #tpu.memory_space<vmem>> -> memref<1x16x1024xf32, #tpu.memory_space<vmem>>
    %dma_wait3A_390 = tpu.memref_squeeze %dma_wait3A_389 : memref<1x16x1024xf32, #tpu.memory_space<vmem>> -> memref<16x1024xf32, #tpu.memory_space<vmem>>
    tpu.wait_dma2 semaphore(%arg13 : memref<!tpu.dma_semaphore, #tpu.memory_space<semaphore_mem>>) src(%dma_wait3A_390 : memref<16x1024xf32, #tpu.memory_space<vmem>>) dst(%dma_wait3A_386 : memref<16x1024xf32, #tpu.memory_space<hbm>>)
    %add3A_391 = arith.constant 1008 : i32
    %add3A_392 = arith.addi %mul3A_2, %add3A_391 : i32
    %dma_wait3A_393 = arith.constant 3 : i32
    %dma_wait3A_394 = arith.constant 0 : i32
    %dma_wait3A_395 = arith.constant 0 : i32
    %dma_wait3A_396 = tpu.memref_slice %arg6[%dma_wait3A_393, %dma_wait3A_394, %dma_wait3A_395] : memref<4x16x1024xf32, #tpu.memory_space<vmem>> -> memref<1x16x1024xf32, #tpu.memory_space<vmem>>
    %dma_wait3A_397 = tpu.memref_squeeze %dma_wait3A_396 : memref<1x16x1024xf32, #tpu.memory_space<vmem>> -> memref<16x1024xf32, #tpu.memory_space<vmem>>
    %dma_wait3A_398 = arith.constant 0 : i32
    %dma_wait3A_399 = tpu.memref_slice %arg4[%add3A_392, %dma_wait3A_398] : memref<32768x1024xf32, #tpu.memory_space<hbm>> -> memref<16x1024xf32, #tpu.memory_space<hbm>>
    %dma_wait3A_400 = arith.constant 0 : i32
    %dma_wait3A_401 = tpu.memref_slice %arg4[%add3A_392, %dma_wait3A_400] : memref<32768x1024xf32, #tpu.memory_space<hbm>> -> memref<16x1024xf32, #tpu.memory_space<hbm>>
    %dma_wait3A_402 = arith.constant 0 : i32
    %dma_wait3A_403 = arith.constant 0 : i32
    %dma_wait3A_404 = tpu.memref_slice %arg6[%dma_wait3A_393, %dma_wait3A_402, %dma_wait3A_403] : memref<4x16x1024xf32, #tpu.memory_space<vmem>> -> memref<1x16x1024xf32, #tpu.memory_space<vmem>>
    %dma_wait3A_405 = tpu.memref_squeeze %dma_wait3A_404 : memref<1x16x1024xf32, #tpu.memory_space<vmem>> -> memref<16x1024xf32, #tpu.memory_space<vmem>>
    tpu.wait_dma2 semaphore(%arg14 : memref<!tpu.dma_semaphore, #tpu.memory_space<semaphore_mem>>) src(%dma_wait3A_405 : memref<16x1024xf32, #tpu.memory_space<vmem>>) dst(%dma_wait3A_401 : memref<16x1024xf32, #tpu.memory_space<hbm>>)
    return
  }
}

</mosaic_0001>

<sc_bundles>
// kernel: kernel.3.cloned.1.call-start
scs
__scs_entry_jumppad:
0x0: {  	(pc) =	sbr.rel $0x88, $3  }
0x1: {  	(tag) =	ssettag $0x0;
	lr =	simm.s32 $0x1  }
0x2: {  	[smem:$0x3F9F] =	sst lr;
	_ =	strace $0xD0000000  }
0x3: {  	_ = 	snop  }
0x4: {  	_ = 	snop  }
0x5: {  	_ = 	snop  }
0x6: {  	_ = 	snop  }
0x7: {  	_ = 	snop  }
__scs_overlays_trampoline_lowered:
0x8: {  	[smem:$0x3FAE] =	sst s0  }
0x9: {  	[smem:$0x3FAF] =	sst s1  }
0xa: {  	[smem:$0x3FB0] =	sst s2  }
0xb: {  	[smem:$0x3FB1] =	sst s3  }
0xc: {  	[smem:$0x3FB2] =	sst s4  }
0xd: {  	[smem:$0x3FB3] =	sst s5  }
0xe: {  	[smem:$0x3FB4] =	sst s6  }
0xf: {  	[smem:$0x3FB5] =	sst s7  }
0x10: {  	[smem:$0x3FB6] =	sst s8  }
0x11: {  	[smem:$0x3FB7] =	sst s9;
	s0 =	simm.s32 @!p0 $0x0  }
0x12: {  	s1 =	sld [smem:$0x3F9D];
	s0 =	simm.s32 @p0 $0x1  }
0x13: {  	[smem:$0x3FB8] =	sst s0;
	s0 =	simm.s32 @!p1 $0x0  }
0x14: {  	s2 =	sld [smem:$0x3F9C];
	s0 =	simm.s32 @p1 $0x1  }
0x15: {  	[smem:$0x3FB9] =	sst s0;
	s0 =	simm.s32 @!p2 $0x0  }
0x16: {  	s3 =	sld [smem:$0x3FDB];
	s0 =	simm.s32 @p2 $0x1  }
0x17: {  	s4 =	simm.s32 $0x1BF5;
	[smem:$0x3FBB] =	sst s0  }
0x18: {  	s0 =	sld [smem:$0x3F9E];
	_ =	swait.ge [sflag:s4], $0x0  }
0x19: {  	s7 =	sld [smem:$0x3F9F]  }
0x1a: {  	s8 =	sadd.s32 $0xFFFFE003, lr  }
0x1b: {  	s9 =	sadd.s32 $0xFFFFFEF7, lr;
	s5 =	simm.s32 $0xFFFFFFFF;
	p2 =	slt.u32 s8, $0xFFFFF086  }
0x1c: {  	p1 =	slt.u32 s9, $0xF7A;
	s5 =	simm.s32 @!p2 $0x0  }
0x1d: {  	s5 =	simm.s32 @p1 $0x1;
	p0 =	seq.s32 s7, s2  }
0x1e: {  	s7 =	smul.u32 @!p0 $0xF7A, s2;
	p2 =	seq.s32 @!p0 s5, $0x0  }
0x1f: {  	s9 =	smul.u32 $0xF7A, s1;
	s8 =	simm.s32 @!p0 $0x1BF5;
	p2 =	por !p2, p0  }
0x20: {  	[sflag:s8] =	ssyncset.s32 @!p0 $0xFFFFF086;
	s6 =	sadd.s32 @!p0 s3, s7;
	s7 =	simm.s32 @!p0 $0x108  }
0x21: {  	s3 =	sadd.s32 s3, s9;
	s6 =	sadd.s32 @!p0 $0x88, s6;
	s7 =	simm.s32 @p2 $0x1082  }
0x22: {  	[simem:s7], [sflag:s8] =	dma.local @!p0 [hbm:s6], $0xF7A  }
0x23: {  	s9 =	sor.u32 $0xD0000000, s2;
	s6 =	simm.s32 $0x108;
	_ =	swait.ge @!p0 [sflag:s8], $0x0  }
0x24: {  	s3 =	sadd.s32 $0x88, s3;
	s6 =	simm.s32 @!p1 $0x1082;
	[sflag:s4] =	ssyncset.s32 $0xFFFFF086  }
0x25: {  	[simem:s6], [sflag:s4] =	dma.local [hbm:s3], $0xF7A  }
0x26: {  	[smem:$0x3F9F] =	sst s1;
	(tag) =	ssettag s2;
	_ =	strace s9  }
0x27: {  	s1 =	sld [smem:$0x3FAF]  }
0x28: {  	s2 =	sld [smem:$0x3FB0]  }
0x29: {  	s4 =	sld [smem:$0x3FB2]  }
0x2a: {  	p0 =	seq.s32 s5, $0x0;
	s5 =	sld [smem:$0x3FB3]  }
0x2b: {  	s6 =	sld [smem:$0x3FB4]  }
0x2c: {  	s7 =	sld [smem:$0x3FB5]  }
0x2d: {  	s3 =	simm.s32 $0x108;
	s8 =	sld [smem:$0x3FB6]  }
0x2e: {  	s3 =	simm.s32 @!p0 $0x1082;
	s9 =	sld [smem:$0x3FB7]  }
0x2f: {  	lr =	sadd.s32 s0, s3;
	s0 =	sld [smem:$0x3FAE]  }
0x30: {  	s3 =	sld [smem:$0x3FB1]  }
0x31: {  	[smem:$0x3FBA] =	sst s10  }
0x32: {  	s10 =	sld [smem:$0x3FB8];
	_ =	sdelay $0x3  }
0x33: {  	p0 =	seq.s32 s10, $0x1;
	s10 =	sld [smem:$0x3FBA];
	_ =	sdelay $0x3  }
0x34: {  	[smem:$0x3FBA] =	sst s10  }
0x35: {  	s10 =	sld [smem:$0x3FB9];
	_ =	sdelay $0x3  }
0x36: {  	p1 =	seq.s32 s10, $0x1;
	s10 =	sld [smem:$0x3FBA];
	_ =	sdelay $0x3  }
0x37: {  	[smem:$0x3FBA] =	sst s10  }
0x38: {  	s10 =	sld [smem:$0x3FBB]  }
0x39: {  	_ = 	snop;
	(pc) =	sbr.ind lr, $3  }
0x3a: {  	_ = 	snop  }
0x3b: {  	_ = 	snop  }
0x3c: {  	p2 =	seq.s32 s10, $0x1;
	s10 =	sld [smem:$0x3FBA]  }
0x3d: {  	_ =	shalt  }
0x3e: {  	_ =	shalt  }
0x3f: {  	_ =	shalt  }
0x40: {  	_ =	shalt  }
0x41: {  	_ =	shalt  }
0x42: {  	_ =	shalt  }
0x43: {  	_ =	shalt  }
0x44: {  	_ =	shalt  }
0x45: {  	_ =	shalt  }
0x46: {  	_ =	shalt  }
0x47: {  	_ =	shalt  }
0x48: {  	_ =	shalt  }
0x49: {  	_ =	shalt  }
0x4a: {  	_ =	shalt  }
0x4b: {  	_ =	shalt  }
0x4c: {  	_ =	shalt  }
0x4d: {  	_ =	shalt  }
0x4e: {  	_ =	shalt  }
0x4f: {  	_ =	shalt  }
0x50: {  	_ =	shalt  }
0x51: {  	_ =	shalt  }
0x52: {  	_ =	shalt  }
0x53: {  	_ =	shalt  }
0x54: {  	_ =	shalt  }
0x55: {  	_ =	shalt  }
0x56: {  	_ =	shalt  }
0x57: {  	_ =	shalt  }
0x58: {  	_ =	shalt  }
0x59: {  	_ =	shalt  }
0x5a: {  	_ =	shalt  }
0x5b: {  	_ =	shalt  }
0x5c: {  	_ =	shalt  }
0x5d: {  	_ =	shalt  }
0x5e: {  	_ =	shalt  }
0x5f: {  	_ =	shalt  }
0x60: {  	_ =	shalt  }
0x61: {  	_ =	shalt  }
0x62: {  	_ =	shalt  }
0x63: {  	_ =	shalt  }
0x64: {  	_ =	shalt  }
0x65: {  	_ =	shalt  }
0x66: {  	_ =	shalt  }
0x67: {  	_ =	shalt  }
0x68: {  	_ =	shalt  }
0x69: {  	_ =	shalt  }
0x6a: {  	_ =	shalt  }
0x6b: {  	_ =	shalt  }
0x6c: {  	_ =	shalt  }
0x6d: {  	_ =	shalt  }
0x6e: {  	_ =	shalt  }
0x6f: {  	_ =	shalt  }
0x70: {  	_ =	shalt  }
0x71: {  	_ =	shalt  }
0x72: {  	_ =	shalt  }
0x73: {  	_ =	shalt  }
0x74: {  	_ =	shalt  }
0x75: {  	_ =	shalt  }
0x76: {  	_ =	shalt  }
0x77: {  	_ =	shalt  }
0x78: {  	_ =	shalt  }
0x79: {  	_ =	shalt  }
0x7a: {  	_ =	shalt  }
0x7b: {  	_ =	shalt  }
0x7c: {  	_ =	shalt  }
0x7d: {  	_ =	shalt  }
0x7e: {  	_ =	shalt  }
0x7f: {  	_ =	shalt  }
0x80: {  	_ =	shalt  }
0x81: {  	_ =	shalt  }
0x82: {  	_ =	shalt  }
0x83: {  	_ =	shalt  }
0x84: {  	_ =	shalt  }
0x85: {  	_ =	shalt  }
0x86: {  	_ =	shalt  }
0x87: {  	_ =	shalt  }
.Lfunc_end0:
.L_simem_size_0:
called_computation_lowered:
.L_overlay_start_0:
0x88: {  	s2 =	sld [smem:$0x3FD9]  }
0x89: {  	s3 =	sld [smem:$0x3FFE];
	_ =	sdelay $0x1  }
0x8a: {  	s1 =	srdreg.scid  }
0x8b: {  	s0 =	sand.u32 $0x1, s1  }
0x8c: {  	s17 =	sshll.u32 s0, $0xA;
	s2 =	sadd.s32 s3, s2  }
0x8d: {  	s2 =	sadd.s32 s2, s17  }
0x8e: {  	[smem:$0x3FC6] =	sst s2  }
0x8f: {  	_ = 	snop  }
0x90: {  	s2 =	sld [smem:$0x3FC8]  }
0x91: {  	s18 =	sld [smem:$0x3FD0];
	(tm) =	ssettm $0x1  }
0x92: {  	s4 =	sld [smem:$0x3FFB];
	_ =	sdelay $0x3  }
0x93: {  	_ =	strace s4  }
0x94: {  	s4 =	sld [smem:$0x3FFC];
	_ =	sdelay $0x3  }
0x95: {  	_ =	strace s4  }
0x96: {  	s4 =	sld [smem:$0x3FFD];
	_ =	sdelay $0x3  }
0x97: {  	_ =	strace s4  }
0x98: {  	_ =	strace $0x8FFFFFFF  }
0x99: {  	s19 =	sld [smem:$0x3FDB];
	_ =	sdelay $0x1  }
0x9a: {  	s5 =	simm.s32 $_scs_section_size  }
0x9b: {  	s6 =	simm.s32 $_size__tile_overlayer_lowered;
	s7 =	simm.s32 $_tile_overlayer_lowered  }
0x9c: {  	s22 =	simm.s32 $0x1BFF;
	s21 =	sshll.u32 s7, $0x1;
	s4 =	sadd.s32 s5, s19  }
0x9d: {  	s8 =	simm.s32 $0x0;
	s20 =	sshll.u32 s6, $0x1;
	s6 =	sadd.s32 s21, s4  }
0x9e: {  	[timem:s8], [sflag:s22] =	dma.local [hbm:s6], s20  }
0x9f: {  	_ =	swait.ge [sflag:s22], s20  }
0xa0: {  	s5 =	ssub.s32 $0x0, s20;
	[sflag:s22] =	ssyncset.done $0x0  }
0xa1: {  	[sflag:s22] =	ssyncadd.s32 s5;
	_ =	sdelay $0x1  }
0xa2: {  	s23 =	simm.s32 $0x1B8B  }
0xa3: {  	_ =	swait.ge [sflag:s23], $0x1  }
0xa4: {  	[sflag:s23] =	ssyncset.done $0x0  }
0xa5: {  	s25 =	simm.s32 $0x1B8E;
	s24 =	sld [smem:$0x3FFE];
	[sflag:s23] =	ssyncadd.s32 $0xFFFFFFFF  }
0xa6: {  	s26 =	simm.s32 $execute0_lowered;
	[smem:$0x3FD2] =	sst s25  }
0xa7: {  	s6 =	sshll.u32 s26, $0x1;
	_ =	strace $0x80000046;
	[dreg:$0x1] =	wrdreg $0xFFFFFFFF  }
0xa8: {  	s28 =	simm.s32 $_size_execute0_lowered;
	s4 =	sadd.s32 s4, s6;
	[dreg:$0x0] =	wrdreg $0x0  }
0xa9: {  	s6 =	sshll.u32 s28, $0x1;
	[dreg:$0x2] =	wrdreg s4  }
0xaa: {  	[dreg:$0x3] =	wrdreg s6  }
0xab: {  	[dreg:$0x4] =	wrdreg $0xC0  }
0xac: {  	_ =	task [dreg:s8], $0x5FFFF  }
0xad: {  	[dreg:$0x1] =	wrdreg $0xFFFFFFFF  }
0xae: {  	[dreg:$0x0] =	wrdreg $0x60  }
0xaf: {  	[dreg:$0x2] =	wrdreg s24  }
0xb0: {  	[dreg:$0x3] =	wrdreg s2  }
0xb1: {  	[dreg:$0x4] =	wrdreg s18  }
0xb2: {  	[dreg:$0x5] =	wrdreg $0x9  }
0xb3: {  	_ =	task.clear_ibuf [dreg:s8], $0x6FFFF;
	_ =	strace $0x90000046  }
0xb4: {  	s29 =	simm.s32 $0x9;
	_ =	strace $0x80000048  }
0xb5: {  	_ =	swait.ge [sflag:s29], $0x1  }
0xb6: {  	[sflag:s29] =	ssyncadd.s32 $0xFFFFFFFF  }
0xb7: {  	_ =	strace $0x90000048  }
0xb8: {  	_ =	sfence  }
0xb9: {  	s30 =	sld [smem:$0x0];
	_ =	sdelay $0x2  }
0xba: {  	s31 =	sshll.u32 s1, $0xD;
	s1 =	sshrl.u32 s1, $0x2  }
0xbb: {  	s3 =	sand.u32 $0x4000, s31;
	s1 =	sadd.s32 s1, s30  }
0xbc: {  	s0 =	sor.u32 s3, s0;
	s1 =	sshll.u32 s1, $0x11  }
0xbd: {  	s0 =	sor.u32 s1, s0  }
0xbe: {  	s0 =	sadd.s32 $0x8F2B, s0  }
0xbf: {  	[sflag:s0] =	ssyncadd.remote.s32 $0x1  }
0xc0: {  	_ =	sfence.sel $0xFFFF  }
0xc1: {  	[dreg:$0x0] =	wrdreg $0xFFFFFFFF;
	(pc) =	sbr.abs _section_cstart, $3  }
0xc2: {  	[dreg:$0x1] =	wrdreg $0xFFFFFFFF  }
0xc3: {  	_ =	task.clear_ibuf [dreg:s8], $0x2FFFF;
	_ =	strace $0x9FFFFFFF  }
0xc4: {  	(tm) =	ssettm $0x7FFFFFFF  }
0xc5: {  	_ =	shalt  }
tec
execute0_lowered:
.L_overlay_start_1:
0x0: {  	(tag) =	ssettag $0x1  }
0x1: {  	s0 =	rddreg [dreg:$0x0]  }
0x2: {  	s2 =	rddreg [dreg:$0x1]  }
0x3: {  	s1 =	rddreg [dreg:$0x2]  }
0x4: {  	s3 =	srdreg.scid;
	s9 =	stileid.u32;
	s12 =	simm.s32 $0xC00  }
0x5: {  	s13 =	simm.s32 $0x1400;
	s14 =	simm.s32 $0x1C00;
	s28 =	simm.s32 $0x7C00  }
0x6: {  	s29 =	simm.s32 $0x3;
	s30 =	simm.s32 $0x5;
	s31 =	simm.s32 $0x4  }
0x7: {  	s4 =	sand.u32 $0x1, s3;
	s3 =	simm.s32 $0x0;
	s5 =	sshll.u32 s9, $0xB  }
0x8: {  	s20 =	sshll.u32 s9, $0x12;
	s9 =	simm.s32 $0x1;
	s6 =	sshll.u32 s4, $0xA  }
0x9: {  	[smem:$0x7FF] =	sst s3;
	s15 =	ssub.s32 $0x2, s4;
	s5 =	sor.u32 s6, s5  }
0xa: {  	_ =	strace $0x80000047;
	s8 =	sshrl.u32 s15, $0x1;
	s16 =	sshll.u32 s5, $0x7  }
0xb: {  	s7 =	sshrl.u32 s5, $0x3;
	s6 =	ssub.s32 s15, s8;
	s10 =	sadd.s32 s1, s16  }
0xc: {  	s0 =	sadd.s32 s7, s0;
	s26 =	smax.u32 s6, $0x1;
	[dreg:$0x6] =	wrdreg s10  }
0xd: {  	s22 =	sshll.u32 s4, $0x11;
	s0 =	sadd.s32 $0x400, s0;
	[dreg:$0xe] =	wrdreg s26  }
0xe: {  	s4 =	simm.s32 $0x8;
	s17 =	sadd.s32 $0x800, s10;
	[dreg:$0x5] =	wrdreg s0  }
0xf: {  	s5 =	sadd.s32 $0x100, s2;
	s18 =	sadd.s32 $0x1000, s10;
	[dreg:$0x7] =	wrdreg s17  }
0x10: {  	s8 =	sadd.s32 $0x300, s2;
	s19 =	sadd.s32 $0x1800, s10;
	[dreg:$0x8] =	wrdreg s18  }
0x11: {  	s15 =	simm.s32 $0x2C00;
	s21 =	sadd.s32 $0x1E000, s10;
	[dreg:$0x9] =	wrdreg s19  }
0x12: {  	s7 =	sadd.s32 $0x200, s2;
	s23 =	sadd.s32 $0x1E800, s10;
	[dreg:$0xa] =	wrdreg s21  }
0x13: {  	s6 =	simm.s32 $0x2400;
	s24 =	sadd.s32 $0x1F000, s10;
	[dreg:$0xb] =	wrdreg s23  }
0x14: {  	s16 =	simm.s32 $0x3400;
	s25 =	sadd.s32 $0x1F800, s10;
	[dreg:$0xc] =	wrdreg s24  }
0x15: {  	s10 =	simm.s32 $0x0;
	s0 =	sadd.s32 s20, s1;
	[dreg:$0xd] =	wrdreg s25  }
0x16: {  	s20 =	simm.s32 $0x3C00;
	s21 =	simm.s32 $0x4C00;
	s23 =	simm.s32 $0x5C00  }
0x17: {  	v2 =	vlaneseq.u32;
	s24 =	simm.s32 $0x6400;
	s19 =	simm.s32 $0x6C00;
	s25 =	simm.s32 $0x7400  }
0x18: {  	vm0 =	vmmov $0xffff;
	v1 =	vshrl.u32 v2, $0x3;
	s17 =	simm.s32 $0x2;
	s1 =	simm.s32 $0x7;
	s0 =	sadd.s32 s22, s0  }
0x19: {  	v0 =	vand.u32 $0x7, v2;
	v2 =	vor.u32 $0x8, v2;
	v1 =	vmul.u32 $0x8, v1;
	s22 =	simm.s32 $0x5400;
	[dreg:$0x4] =	wrdreg s0;
	s0 =	simm.s32 $0x6  }
.LBB2_1:
0x1a: {  	[dreg:$0xf] =	wrdreg s10  }
0x1b: {  	s11 =	rddreg [dreg:$0x5];
	s18 =	simm.s32 $0x9  }
0x1c: {  	[tilespmem:s3], [sflag:$0x9] =	stream.linear.gather [hbm4b:s11+s3], $0x400, $0x38;
	[tilespmem:$0x10400] =	vst v63  }
0x1d: {  	_ =	swait.ge [sflag:s18], $0x400  }
0x1e: {  	[sflag:s18] =	ssyncset.done $0x0  }
0x1f: {  	[sflag:s18] =	ssyncadd.s32 $0xFFFFFC00  }
0x20: {  	v3 =	vld [tilespmem:$0x0];
	_ =	sdelay $0x4  }
0x21: {  	v4 =	vshll.u32 v3, $0x3  }
0x22: {  	v3 =	vand.u32 $0x7, v3;
	v4 =	vand.u32 $0xFFFFFFC0, v4  }
0x23: {  	v3 =	vor.u32 v3, v4  }
0x24: {  	v4 =	vperm.xlane v3, v0;
	_ =	sdelay $0x1  }
0x25: {  	v4 =	vadd.s32 v1, v4;
	_ =	sdelay $0x3  }
0x26: {  	s18 =	simm.s32 $0x400  }
0x27: {  	[tilespmem:s18], [sflag:$0x1] =	stream.indirect_vreg.gather [hbm4b:s2+s3], $0x80, v4, vm0, $0xb8;
	[tilespmem:$0x10400] =	vst v63  }
0x28: {  	v3 =	vperm.xlane v3, v2  }
0x29: {  	[tilespmem:s12], [sflag:$0x1] =	stream.indirect_vreg.gather [hbm4b:s5+s3], $0x80, v4, vm0, $0xb8;
	[tilespmem:$0x10400] =	vst v63  }
0x2a: {  	v3 =	vadd.s32 v1, v3  }
0x2b: {  	[tilespmem:s13], [sflag:$0x1] =	stream.indirect_vreg.gather [hbm4b:s7+s3], $0x80, v4, vm0, $0xb8;
	[tilespmem:$0x10400] =	vst v63  }
0x2c: {  	_ = 	snop  }
0x2d: {  	[tilespmem:s14], [sflag:$0x1] =	stream.indirect_vreg.gather [hbm4b:s8+s3], $0x80, v4, vm0, $0xb8;
	[tilespmem:$0x10400] =	vst v63  }
0x2e: {  	_ = 	snop  }
0x2f: {  	[tilespmem:s6], [sflag:$0x1] =	stream.indirect_vreg.gather [hbm4b:s2+s3], $0x80, v3, vm0, $0xb8;
	[tilespmem:$0x10400] =	vst v63  }
0x30: {  	_ = 	snop  }
0x31: {  	[tilespmem:s15], [sflag:$0x1] =	stream.indirect_vreg.gather [hbm4b:s5+s3], $0x80, v3, vm0, $0xb8;
	[tilespmem:$0x10400] =	vst v63  }
0x32: {  	_ = 	snop  }
0x33: {  	[tilespmem:s16], [sflag:$0x1] =	stream.indirect_vreg.gather [hbm4b:s7+s3], $0x80, v3, vm0, $0xb8;
	[tilespmem:$0x10400] =	vst v63  }
0x34: {  	_ = 	snop  }
0x35: {  	[tilespmem:s20], [sflag:$0x1] =	stream.indirect_vreg.gather [hbm4b:s8+s3], $0x80, v3, vm0, $0xb8;
	[tilespmem:$0x10400] =	vst v63  }
0x36: {  	v3 =	vld [tilespmem:$0x10];
	_ =	sdelay $0x4  }
0x37: {  	v59 =	vshll.u32 v3, $0x3  }
0x38: {  	v3 =	vand.u32 $0x7, v3;
	v4 =	vand.u32 $0xFFFFFFC0, v59  }
0x39: {  	v3 =	vor.u32 v3, v4  }
0x3a: {  	v4 =	vperm.xlane v3, v0;
	_ =	sdelay $0x1  }
0x3b: {  	v4 =	vadd.s32 v1, v4;
	_ =	sdelay $0x3  }
0x3c: {  	s26 =	simm.s32 $0x4400  }
0x3d: {  	[tilespmem:s26], [sflag:$0x2] =	stream.indirect_vreg.gather [hbm4b:s2+s3], $0x80, v4, vm0, $0xb8;
	[tilespmem:$0x10400] =	vst v63  }
0x3e: {  	v3 =	vperm.xlane v3, v2  }
0x3f: {  	[tilespmem:s21], [sflag:$0x2] =	stream.indirect_vreg.gather [hbm4b:s5+s3], $0x80, v4, vm0, $0xb8;
	[tilespmem:$0x10400] =	vst v63  }
0x40: {  	v3 =	vadd.s32 v1, v3  }
0x41: {  	[tilespmem:s22], [sflag:$0x2] =	stream.indirect_vreg.gather [hbm4b:s7+s3], $0x80, v4, vm0, $0xb8;
	[tilespmem:$0x10400] =	vst v63  }
0x42: {  	_ = 	snop  }
0x43: {  	[tilespmem:s23], [sflag:$0x2] =	stream.indirect_vreg.gather [hbm4b:s8+s3], $0x80, v4, vm0, $0xb8;
	[tilespmem:$0x10400] =	vst v63  }
0x44: {  	_ = 	snop  }
0x45: {  	[tilespmem:s24], [sflag:$0x2] =	stream.indirect_vreg.gather [hbm4b:s2+s3], $0x80, v3, vm0, $0xb8;
	[tilespmem:$0x10400] =	vst v63  }
0x46: {  	_ = 	snop  }
0x47: {  	[tilespmem:s19], [sflag:$0x2] =	stream.indirect_vreg.gather [hbm4b:s5+s3], $0x80, v3, vm0, $0xb8;
	[tilespmem:$0x10400] =	vst v63  }
0x48: {  	_ = 	snop  }
0x49: {  	[tilespmem:s25], [sflag:$0x2] =	stream.indirect_vreg.gather [hbm4b:s7+s3], $0x80, v3, vm0, $0xb8;
	[tilespmem:$0x10400] =	vst v63  }
0x4a: {  	_ = 	snop  }
0x4b: {  	[tilespmem:s28], [sflag:$0x2] =	stream.indirect_vreg.gather [hbm4b:s8+s3], $0x80, v3, vm0, $0xb8;
	[tilespmem:$0x10400] =	vst v63  }
0x4c: {  	_ =	swait.ge [sflag:s9], $0x4000  }
0x4d: {  	[sflag:s9] =	ssyncset.done $0x0  }
0x4e: {  	[sflag:s9] =	ssyncadd.s32 $0xFFFFC000  }
0x4f: {  	v3 =	vld [tilespmem:$0x20];
	_ =	sdelay $0x4  }
0x50: {  	v60 =	vshll.u32 v3, $0x3  }
0x51: {  	v3 =	vand.u32 $0x7, v3;
	v4 =	vand.u32 $0xFFFFFFC0, v60  }
0x52: {  	v3 =	vor.u32 v3, v4  }
0x53: {  	v4 =	vperm.xlane v3, v0;
	_ =	sdelay $0x1  }
0x54: {  	v4 =	vadd.s32 v1, v4;
	_ =	sdelay $0x3  }
0x55: {  	s26 =	simm.s32 $0x8400  }
0x56: {  	[tilespmem:s26], [sflag:$0x3] =	stream.indirect_vreg.gather [hbm4b:s2+s3], $0x80, v4, vm0, $0xb8;
	[tilespmem:$0x10400] =	vst v63  }
0x57: {  	s10 =	simm.s32 $0x8C00;
	v3 =	vperm.xlane v3, v2  }
0x58: {  	[tilespmem:s10], [sflag:$0x3] =	stream.indirect_vreg.gather [hbm4b:s5+s3], $0x80, v4, vm0, $0xb8;
	[tilespmem:$0x10400] =	vst v63  }
0x59: {  	v3 =	vadd.s32 v1, v3;
	s10 =	simm.s32 $0x9400  }
0x5a: {  	[tilespmem:s10], [sflag:$0x3] =	stream.indirect_vreg.gather [hbm4b:s7+s3], $0x80, v4, vm0, $0xb8;
	[tilespmem:$0x10400] =	vst v63  }
0x5b: {  	s10 =	simm.s32 $0x9C00  }
0x5c: {  	[tilespmem:s10], [sflag:$0x3] =	stream.indirect_vreg.gather [hbm4b:s8+s3], $0x80, v4, vm0, $0xb8;
	[tilespmem:$0x10400] =	vst v63  }
0x5d: {  	s10 =	simm.s32 $0xA400  }
0x5e: {  	[tilespmem:s10], [sflag:$0x3] =	stream.indirect_vreg.gather [hbm4b:s2+s3], $0x80, v3, vm0, $0xb8;
	[tilespmem:$0x10400] =	vst v63  }
0x5f: {  	s10 =	simm.s32 $0xAC00  }
0x60: {  	[tilespmem:s10], [sflag:$0x3] =	stream.indirect_vreg.gather [hbm4b:s5+s3], $0x80, v3, vm0, $0xb8;
	[tilespmem:$0x10400] =	vst v63  }
0x61: {  	s10 =	simm.s32 $0xB400  }
0x62: {  	[tilespmem:s10], [sflag:$0x3] =	stream.indirect_vreg.gather [hbm4b:s7+s3], $0x80, v3, vm0, $0xb8;
	[tilespmem:$0x10400] =	vst v63  }
0x63: {  	s11 =	simm.s32 $0xBC00  }
0x64: {  	[tilespmem:s11], [sflag:$0x3] =	stream.indirect_vreg.gather [hbm4b:s8+s3], $0x80, v3, vm0, $0xb8;
	[tilespmem:$0x10400] =	vst v63  }
0x65: {  	s10 =	rddreg [dreg:$0x6]  }
0x66: {  	[hbm4b:s10+s3] =	stream.linear.scatter [tilespmem:s18], [sflag:$0x5], $0x4000, $0x38;
	[tilespmem:$0x10400] =	vst v63  }
0x67: {  	_ =	swait.ge [sflag:s17], $0x4000  }
0x68: {  	[sflag:s17] =	ssyncset.done $0x0  }
0x69: {  	[sflag:s17] =	ssyncadd.s32 $0xFFFFC000  }
0x6a: {  	v3 =	vld [tilespmem:$0x30];
	_ =	sdelay $0x4  }
0x6b: {  	v61 =	vshll.u32 v3, $0x3  }
0x6c: {  	v3 =	vand.u32 $0x7, v3;
	v4 =	vand.u32 $0xFFFFFFC0, v61  }
0x6d: {  	v3 =	vor.u32 v3, v4  }
0x6e: {  	v4 =	vperm.xlane v3, v0;
	_ =	sdelay $0x1  }
0x6f: {  	v4 =	vadd.s32 v1, v4;
	_ =	sdelay $0x3  }
0x70: {  	s11 =	simm.s32 $0xC400  }
0x71: {  	[tilespmem:s11], [sflag:$0x4] =	stream.indirect_vreg.gather [hbm4b:s2+s3], $0x80, v4, vm0, $0xb8;
	[tilespmem:$0x10400] =	vst v63  }
0x72: {  	s10 =	simm.s32 $0xCC00;
	v3 =	vperm.xlane v3, v2  }
0x73: {  	[tilespmem:s10], [sflag:$0x4] =	stream.indirect_vreg.gather [hbm4b:s5+s3], $0x80, v4, vm0, $0xb8;
	[tilespmem:$0x10400] =	vst v63  }
0x74: {  	v3 =	vadd.s32 v1, v3;
	s10 =	simm.s32 $0xD400  }
0x75: {  	[tilespmem:s10], [sflag:$0x4] =	stream.indirect_vreg.gather [hbm4b:s7+s3], $0x80, v4, vm0, $0xb8;
	[tilespmem:$0x10400] =	vst v63  }
0x76: {  	s10 =	simm.s32 $0xDC00  }
0x77: {  	[tilespmem:s10], [sflag:$0x4] =	stream.indirect_vreg.gather [hbm4b:s8+s3], $0x80, v4, vm0, $0xb8;
	[tilespmem:$0x10400] =	vst v63  }
0x78: {  	s10 =	simm.s32 $0xE400  }
0x79: {  	[tilespmem:s10], [sflag:$0x4] =	stream.indirect_vreg.gather [hbm4b:s2+s3], $0x80, v3, vm0, $0xb8;
	[tilespmem:$0x10400] =	vst v63  }
0x7a: {  	s10 =	simm.s32 $0xEC00  }
0x7b: {  	[tilespmem:s10], [sflag:$0x4] =	stream.indirect_vreg.gather [hbm4b:s5+s3], $0x80, v3, vm0, $0xb8;
	[tilespmem:$0x10400] =	vst v63  }
0x7c: {  	s10 =	simm.s32 $0xF400  }
0x7d: {  	[tilespmem:s10], [sflag:$0x4] =	stream.indirect_vreg.gather [hbm4b:s7+s3], $0x80, v3, vm0, $0xb8;
	[tilespmem:$0x10400] =	vst v63  }
0x7e: {  	s10 =	simm.s32 $0xFC00  }
0x7f: {  	[tilespmem:s10], [sflag:$0x4] =	stream.indirect_vreg.gather [hbm4b:s8+s3], $0x80, v3, vm0, $0xb8;
	[tilespmem:$0x10400] =	vst v63  }
0x80: {  	s11 =	rddreg [dreg:$0x7];
	s10 =	simm.s32 $0x4400  }
0x81: {  	[hbm4b:s11+s3] =	stream.linear.scatter [tilespmem:s10], [sflag:$0x6], $0x4000, $0x38;
	[tilespmem:$0x10400] =	vst v63  }
0x82: {  	_ =	swait.ge [sflag:s29], $0x4000  }
0x83: {  	[sflag:s29] =	ssyncset.done $0x0  }
0x84: {  	[sflag:s29] =	ssyncadd.s32 $0xFFFFC000  }
0x85: {  	_ =	swait.ge [sflag:s30], $0x4000  }
0x86: {  	[sflag:s30] =	ssyncset.done $0x0  }
0x87: {  	[sflag:s30] =	ssyncadd.s32 $0xFFFFC000  }
0x88: {  	v3 =	vld [tilespmem:$0x40];
	_ =	sdelay $0x4  }
0x89: {  	v62 =	vshll.u32 v3, $0x3  }
0x8a: {  	v3 =	vand.u32 $0x7, v3;
	v4 =	vand.u32 $0xFFFFFFC0, v62  }
0x8b: {  	v3 =	vor.u32 v3, v4  }
0x8c: {  	v4 =	vperm.xlane v3, v0;
	_ =	sdelay $0x1  }
0x8d: {  	v4 =	vadd.s32 v1, v4;
	_ =	sdelay $0x4  }
0x8e: {  	[tilespmem:s18], [sflag:$0x1] =	stream.indirect_vreg.gather [hbm4b:s2+s3], $0x80, v4, vm0, $0xb8;
	[tilespmem:$0x10400] =	vst v63  }
0x8f: {  	v3 =	vperm.xlane v3, v2  }
0x90: {  	[tilespmem:s12], [sflag:$0x1] =	stream.indirect_vreg.gather [hbm4b:s5+s3], $0x80, v4, vm0, $0xb8;
	[tilespmem:$0x10400] =	vst v63  }
0x91: {  	v3 =	vadd.s32 v1, v3  }
0x92: {  	[tilespmem:s13], [sflag:$0x1] =	stream.indirect_vreg.gather [hbm4b:s7+s3], $0x80, v4, vm0, $0xb8;
	[tilespmem:$0x10400] =	vst v63  }
0x93: {  	_ = 	snop  }
0x94: {  	[tilespmem:s14], [sflag:$0x1] =	stream.indirect_vreg.gather [hbm4b:s8+s3], $0x80, v4, vm0, $0xb8;
	[tilespmem:$0x10400] =	vst v63  }
0x95: {  	_ = 	snop  }
0x96: {  	[tilespmem:s6], [sflag:$0x1] =	stream.indirect_vreg.gather [hbm4b:s2+s3], $0x80, v3, vm0, $0xb8;
	[tilespmem:$0x10400] =	vst v63  }
0x97: {  	_ = 	snop  }
0x98: {  	[tilespmem:s15], [sflag:$0x1] =	stream.indirect_vreg.gather [hbm4b:s5+s3], $0x80, v3, vm0, $0xb8;
	[tilespmem:$0x10400] =	vst v63  }
0x99: {  	_ = 	snop  }
0x9a: {  	[tilespmem:s16], [sflag:$0x1] =	stream.indirect_vreg.gather [hbm4b:s7+s3], $0x80, v3, vm0, $0xb8;
	[tilespmem:$0x10400] =	vst v63  }
0x9b: {  	_ = 	snop  }
0x9c: {  	[tilespmem:s20], [sflag:$0x1] =	stream.indirect_vreg.gather [hbm4b:s8+s3], $0x80, v3, vm0, $0xb8;
	[tilespmem:$0x10400] =	vst v63  }
0x9d: {  	s20 =	rddreg [dreg:$0x8]  }
0x9e: {  	[hbm4b:s20+s3] =	stream.linear.scatter [tilespmem:s26], [sflag:$0x7], $0x4000, $0x38;
	[tilespmem:$0x10400] =	vst v63  }
0x9f: {  	_ =	swait.ge [sflag:s31], $0x4000  }
0xa0: {  	[sflag:s31] =	ssyncset.done $0x0  }
0xa1: {  	[sflag:s31] =	ssyncadd.s32 $0xFFFFC000  }
0xa2: {  	_ =	swait.ge [sflag:s0], $0x4000  }
0xa3: {  	[sflag:s0] =	ssyncset.done $0x0  }
0xa4: {  	[sflag:s0] =	ssyncadd.s32 $0xFFFFC000  }
0xa5: {  	v3 =	vld [tilespmem:$0x50];
	_ =	sdelay $0x4  }
0xa6: {  	v63 =	vshll.u32 v3, $0x3  }
0xa7: {  	v3 =	vand.u32 $0x7, v3;
	v4 =	vand.u32 $0xFFFFFFC0, v63  }
0xa8: {  	v3 =	vor.u32 v3, v4  }
0xa9: {  	v4 =	vperm.xlane v3, v0;
	_ =	sdelay $0x1  }
0xaa: {  	v4 =	vadd.s32 v1, v4;
	_ =	sdelay $0x4  }
0xab: {  	[tilespmem:s10], [sflag:$0x2] =	stream.indirect_vreg.gather [hbm4b:s2+s3], $0x80, v4, vm0, $0xb8;
	[tilespmem:$0x10400] =	vst v63  }
0xac: {  	v3 =	vperm.xlane v3, v2  }
0xad: {  	[tilespmem:s21], [sflag:$0x2] =	stream.indirect_vreg.gather [hbm4b:s5+s3], $0x80, v4, vm0, $0xb8;
	[tilespmem:$0x10400] =	vst v63  }
0xae: {  	v3 =	vadd.s32 v1, v3  }
0xaf: {  	[tilespmem:s22], [sflag:$0x2] =	stream.indirect_vreg.gather [hbm4b:s7+s3], $0x80, v4, vm0, $0xb8;
	[tilespmem:$0x10400] =	vst v63  }
0xb0: {  	_ = 	snop  }
0xb1: {  	[tilespmem:s23], [sflag:$0x2] =	stream.indirect_vreg.gather [hbm4b:s8+s3], $0x80, v4, vm0, $0xb8;
	[tilespmem:$0x10400] =	vst v63  }
0xb2: {  	_ = 	snop  }
0xb3: {  	[tilespmem:s24], [sflag:$0x2] =	stream.indirect_vreg.gather [hbm4b:s2+s3], $0x80, v3, vm0, $0xb8;
	[tilespmem:$0x10400] =	vst v63  }
0xb4: {  	s11 =	simm.s32 $0x90  }
0xb5: {  	[tilespmem:s19], [sflag:$0x2] =	stream.indirect_vreg.gather [hbm4b:s5+s3], $0x80, v3, vm0, $0xb8;
	[tilespmem:$0x10400] =	vst v63  }
0xb6: {  	s18 =	simm.s32 $0x7400;
	s12 =	simm.s32 $0x0;
	s6 =	simm.s32 $0x1C00  }
0xb7: {  	[tilespmem:s25], [sflag:$0x2] =	stream.indirect_vreg.gather [hbm4b:s7+s3], $0x80, v3, vm0, $0xb8;
	[tilespmem:$0x10400] =	vst v63  }
0xb8: {  	s15 =	simm.s32 $0x7C00;
	s16 =	simm.s32 $0x1400;
	s26 =	simm.s32 $0xC400  }
0xb9: {  	[tilespmem:s28], [sflag:$0x2] =	stream.indirect_vreg.gather [hbm4b:s8+s3], $0x80, v3, vm0, $0xb8;
	[tilespmem:$0x10400] =	vst v63  }
0xba: {  	s20 =	simm.s32 $0x2400;
	s22 =	simm.s32 $0x3400;
	s25 =	rddreg [dreg:$0x9]  }
0xbb: {  	[hbm4b:s25+s3] =	stream.linear.scatter [tilespmem:s26], [sflag:$0x8], $0x4000, $0x38;
	[tilespmem:$0x10400] =	vst v63  }
0xbc: {  	s23 =	simm.s32 $0x3C00;
	s28 =	simm.s32 $0x5C00;
	s25 =	simm.s32 $0x5400  }
.LBB2_2:
0xbd: {  	_ =	swait.ge [sflag:s9], $0x4000  }
0xbe: {  	[sflag:s9] =	ssyncset.done $0x0  }
0xbf: {  	[sflag:s9] =	ssyncadd.s32 $0xFFFFC000  }
0xc0: {  	_ =	swait.ge [sflag:s1], $0x4000  }
0xc1: {  	[sflag:s1] =	ssyncset.done $0x0  }
0xc2: {  	[sflag:s1] =	ssyncadd.s32 $0xFFFFC000  }
0xc3: {  	v3 =	vld [tilespmem:s11+$0xFFFFFFD0];
	_ =	sdelay $0x4  }
0xc4: {  	v4 =	vshll.u32 v3, $0x3  }
0xc5: {  	v3 =	vand.u32 $0x7, v3;
	v4 =	vand.u32 $0xFFFFFFC0, v4  }
0xc6: {  	v3 =	vor.u32 v3, v4  }
0xc7: {  	v4 =	vperm.xlane v3, v0;
	_ =	sdelay $0x1  }
0xc8: {  	v4 =	vadd.s32 v1, v4;
	_ =	sdelay $0x3  }
0xc9: {  	s21 =	simm.s32 $0x8400  }
0xca: {  	[tilespmem:s21], [sflag:$0x3] =	stream.indirect_vreg.gather [hbm4b:s2+s3], $0x80, v4, vm0, $0xb8;
	[tilespmem:$0x10400] =	vst v63  }
0xcb: {  	s10 =	simm.s32 $0x8C00;
	v3 =	vperm.xlane v3, v2  }
0xcc: {  	[tilespmem:s10], [sflag:$0x3] =	stream.indirect_vreg.gather [hbm4b:s5+s3], $0x80, v4, vm0, $0xb8;
	[tilespmem:$0x10400] =	vst v63  }
0xcd: {  	s14 =	simm.s32 $0x9400;
	v3 =	vadd.s32 v1, v3  }
0xce: {  	[tilespmem:s14], [sflag:$0x3] =	stream.indirect_vreg.gather [hbm4b:s7+s3], $0x80, v4, vm0, $0xb8;
	[tilespmem:$0x10400] =	vst v63  }
0xcf: {  	s19 =	simm.s32 $0x9C00  }
0xd0: {  	[tilespmem:s19], [sflag:$0x3] =	stream.indirect_vreg.gather [hbm4b:s8+s3], $0x80, v4, vm0, $0xb8;
	[tilespmem:$0x10400] =	vst v63  }
0xd1: {  	s24 =	simm.s32 $0xA400  }
0xd2: {  	[tilespmem:s24], [sflag:$0x3] =	stream.indirect_vreg.gather [hbm4b:s2+s3], $0x80, v3, vm0, $0xb8;
	[tilespmem:$0x10400] =	vst v63  }
0xd3: {  	s26 =	simm.s32 $0xAC00  }
0xd4: {  	[tilespmem:s26], [sflag:$0x3] =	stream.indirect_vreg.gather [hbm4b:s5+s3], $0x80, v3, vm0, $0xb8;
	[tilespmem:$0x10400] =	vst v63  }
0xd5: {  	s13 =	simm.s32 $0xB400  }
0xd6: {  	[tilespmem:s13], [sflag:$0x3] =	stream.indirect_vreg.gather [hbm4b:s7+s3], $0x80, v3, vm0, $0xb8;
	[tilespmem:$0x10400] =	vst v63  }
0xd7: {  	s13 =	rddreg [dreg:$0x4]  }
0xd8: {  	s14 =	simm.s32 $0xBC00;
	s13 =	sadd.s32 s12, s13  }
0xd9: {  	[tilespmem:s14], [sflag:$0x3] =	stream.indirect_vreg.gather [hbm4b:s8+s3], $0x80, v3, vm0, $0xb8;
	[tilespmem:$0x10400] =	vst v63  }
0xda: {  	s10 =	simm.s32 $0x400;
	s14 =	sadd.s32 $0x2000, s13  }
0xdb: {  	[hbm4b:s14+s3] =	stream.linear.scatter [tilespmem:s10], [sflag:$0x5], $0x4000, $0x38;
	[tilespmem:$0x10400] =	vst v63  }
0xdc: {  	_ =	swait.ge [sflag:s17], $0x4000  }
0xdd: {  	[sflag:s17] =	ssyncset.done $0x0  }
0xde: {  	[sflag:s17] =	ssyncadd.s32 $0xFFFFC000  }
0xdf: {  	_ =	swait.ge [sflag:s4], $0x4000  }
0xe0: {  	[sflag:s4] =	ssyncset.done $0x0  }
0xe1: {  	[sflag:s4] =	ssyncadd.s32 $0xFFFFC000  }
0xe2: {  	v3 =	vld [tilespmem:s11+$0xFFFFFFE0];
	_ =	sdelay $0x4  }
0xe3: {  	v61 =	vshll.u32 v3, $0x3  }
0xe4: {  	v3 =	vand.u32 $0x7, v3;
	v4 =	vand.u32 $0xFFFFFFC0, v61  }
0xe5: {  	v3 =	vor.u32 v3, v4  }
0xe6: {  	v4 =	vperm.xlane v3, v0;
	_ =	sdelay $0x1  }
0xe7: {  	v4 =	vadd.s32 v1, v4;
	_ =	sdelay $0x3  }
0xe8: {  	s24 =	simm.s32 $0xC400  }
0xe9: {  	[tilespmem:s24], [sflag:$0x4] =	stream.indirect_vreg.gather [hbm4b:s2+s3], $0x80, v4, vm0, $0xb8;
	[tilespmem:$0x10400] =	vst v63  }
0xea: {  	s19 =	simm.s32 $0xCC00;
	v3 =	vperm.xlane v3, v2  }
0xeb: {  	[tilespmem:s19], [sflag:$0x4] =	stream.indirect_vreg.gather [hbm4b:s5+s3], $0x80, v4, vm0, $0xb8;
	[tilespmem:$0x10400] =	vst v63  }
0xec: {  	s26 =	simm.s32 $0xD400;
	v3 =	vadd.s32 v1, v3  }
0xed: {  	[tilespmem:s26], [sflag:$0x4] =	stream.indirect_vreg.gather [hbm4b:s7+s3], $0x80, v4, vm0, $0xb8;
	[tilespmem:$0x10400] =	vst v63  }
0xee: {  	s19 =	simm.s32 $0xDC00  }
0xef: {  	[tilespmem:s19], [sflag:$0x4] =	stream.indirect_vreg.gather [hbm4b:s8+s3], $0x80, v4, vm0, $0xb8;
	[tilespmem:$0x10400] =	vst v63  }
0xf0: {  	s26 =	simm.s32 $0xE400  }
0xf1: {  	[tilespmem:s26], [sflag:$0x4] =	stream.indirect_vreg.gather [hbm4b:s2+s3], $0x80, v3, vm0, $0xb8;
	[tilespmem:$0x10400] =	vst v63  }
0xf2: {  	s19 =	simm.s32 $0xEC00  }
0xf3: {  	[tilespmem:s19], [sflag:$0x4] =	stream.indirect_vreg.gather [hbm4b:s5+s3], $0x80, v3, vm0, $0xb8;
	[tilespmem:$0x10400] =	vst v63  }
0xf4: {  	s26 =	simm.s32 $0xF400  }
0xf5: {  	[tilespmem:s26], [sflag:$0x4] =	stream.indirect_vreg.gather [hbm4b:s7+s3], $0x80, v3, vm0, $0xb8;
	[tilespmem:$0x10400] =	vst v63  }
0xf6: {  	s19 =	simm.s32 $0xFC00  }
0xf7: {  	[tilespmem:s19], [sflag:$0x4] =	stream.indirect_vreg.gather [hbm4b:s8+s3], $0x80, v3, vm0, $0xb8;
	[tilespmem:$0x10400] =	vst v63  }
0xf8: {  	s26 =	sadd.s32 $0x2800, s13;
	s19 =	simm.s32 $0x4400  }
0xf9: {  	[hbm4b:s26+s3] =	stream.linear.scatter [tilespmem:s19], [sflag:$0x6], $0x4000, $0x38;
	[tilespmem:$0x10400] =	vst v63  }
0xfa: {  	_ =	swait.ge [sflag:s29], $0x4000  }
0xfb: {  	[sflag:s29] =	ssyncset.done $0x0  }
0xfc: {  	[sflag:s29] =	ssyncadd.s32 $0xFFFFC000  }
0xfd: {  	_ =	swait.ge [sflag:s30], $0x4000  }
0xfe: {  	[sflag:s30] =	ssyncset.done $0x0  }
0xff: {  	[sflag:s30] =	ssyncadd.s32 $0xFFFFC000  }
0x100: {  	v3 =	vld [tilespmem:s11+$0xFFFFFFF0];
	_ =	sdelay $0x4  }
0x101: {  	v62 =	vshll.u32 v3, $0x3  }
0x102: {  	v3 =	vand.u32 $0x7, v3;
	v4 =	vand.u32 $0xFFFFFFC0, v62  }
0x103: {  	v3 =	vor.u32 v3, v4  }
0x104: {  	v4 =	vperm.xlane v3, v0;
	_ =	sdelay $0x1  }
0x105: {  	v4 =	vadd.s32 v1, v4;
	_ =	sdelay $0x4  }
0x106: {  	[tilespmem:s10], [sflag:$0x1] =	stream.indirect_vreg.gather [hbm4b:s2+s3], $0x80, v4, vm0, $0xb8;
	[tilespmem:$0x10400] =	vst v63  }
0x107: {  	s14 =	simm.s32 $0xC00;
	v3 =	vperm.xlane v3, v2  }
0x108: {  	[tilespmem:s14], [sflag:$0x1] =	stream.indirect_vreg.gather [hbm4b:s5+s3], $0x80, v4, vm0, $0xb8;
	[tilespmem:$0x10400] =	vst v63  }
0x109: {  	v3 =	vadd.s32 v1, v3  }
0x10a: {  	[tilespmem:s16], [sflag:$0x1] =	stream.indirect_vreg.gather [hbm4b:s7+s3], $0x80, v4, vm0, $0xb8;
	[tilespmem:$0x10400] =	vst v63  }
0x10b: {  	_ = 	snop  }
0x10c: {  	[tilespmem:s6], [sflag:$0x1] =	stream.indirect_vreg.gather [hbm4b:s8+s3], $0x80, v4, vm0, $0xb8;
	[tilespmem:$0x10400] =	vst v63  }
0x10d: {  	_ = 	snop  }
0x10e: {  	[tilespmem:s20], [sflag:$0x1] =	stream.indirect_vreg.gather [hbm4b:s2+s3], $0x80, v3, vm0, $0xb8;
	[tilespmem:$0x10400] =	vst v63  }
0x10f: {  	s14 =	simm.s32 $0x2C00  }
0x110: {  	[tilespmem:s14], [sflag:$0x1] =	stream.indirect_vreg.gather [hbm4b:s5+s3], $0x80, v3, vm0, $0xb8;
	[tilespmem:$0x10400] =	vst v63  }
0x111: {  	_ = 	snop  }
0x112: {  	[tilespmem:s22], [sflag:$0x1] =	stream.indirect_vreg.gather [hbm4b:s7+s3], $0x80, v3, vm0, $0xb8;
	[tilespmem:$0x10400] =	vst v63  }
0x113: {  	_ = 	snop  }
0x114: {  	[tilespmem:s23], [sflag:$0x1] =	stream.indirect_vreg.gather [hbm4b:s8+s3], $0x80, v3, vm0, $0xb8;
	[tilespmem:$0x10400] =	vst v63  }
0x115: {  	s10 =	sadd.s32 $0x3000, s13  }
0x116: {  	[hbm4b:s10+s3] =	stream.linear.scatter [tilespmem:s21], [sflag:$0x7], $0x4000, $0x38;
	[tilespmem:$0x10400] =	vst v63  }
0x117: {  	_ =	swait.ge [sflag:s31], $0x4000  }
0x118: {  	[sflag:s31] =	ssyncset.done $0x0  }
0x119: {  	[sflag:s31] =	ssyncadd.s32 $0xFFFFC000  }
0x11a: {  	_ =	swait.ge [sflag:s0], $0x4000  }
0x11b: {  	[sflag:s0] =	ssyncset.done $0x0  }
0x11c: {  	[sflag:s0] =	ssyncadd.s32 $0xFFFFC000  }
0x11d: {  	v3 =	vld [tilespmem:s11+$0x0];
	_ =	sdelay $0x4  }
0x11e: {  	v63 =	vshll.u32 v3, $0x3  }
0x11f: {  	v3 =	vand.u32 $0x7, v3;
	v4 =	vand.u32 $0xFFFFFFC0, v63  }
0x120: {  	v3 =	vor.u32 v3, v4  }
0x121: {  	v4 =	vperm.xlane v3, v0;
	_ =	sdelay $0x1  }
0x122: {  	v4 =	vadd.s32 v1, v4;
	_ =	sdelay $0x4  }
0x123: {  	[tilespmem:s19], [sflag:$0x2] =	stream.indirect_vreg.gather [hbm4b:s2+s3], $0x80, v4, vm0, $0xb8;
	[tilespmem:$0x10400] =	vst v63  }
0x124: {  	s21 =	simm.s32 $0x4C00;
	v3 =	vperm.xlane v3, v2  }
0x125: {  	[tilespmem:s21], [sflag:$0x2] =	stream.indirect_vreg.gather [hbm4b:s5+s3], $0x80, v4, vm0, $0xb8;
	[tilespmem:$0x10400] =	vst v63  }
0x126: {  	v3 =	vadd.s32 v1, v3  }
0x127: {  	[tilespmem:s25], [sflag:$0x2] =	stream.indirect_vreg.gather [hbm4b:s7+s3], $0x80, v4, vm0, $0xb8;
	[tilespmem:$0x10400] =	vst v63  }
0x128: {  	_ = 	snop  }
0x129: {  	[tilespmem:s28], [sflag:$0x2] =	stream.indirect_vreg.gather [hbm4b:s8+s3], $0x80, v4, vm0, $0xb8;
	[tilespmem:$0x10400] =	vst v63  }
0x12a: {  	s21 =	simm.s32 $0x6400  }
0x12b: {  	[tilespmem:s21], [sflag:$0x2] =	stream.indirect_vreg.gather [hbm4b:s2+s3], $0x80, v3, vm0, $0xb8;
	[tilespmem:$0x10400] =	vst v63  }
0x12c: {  	s19 =	simm.s32 $0x6C00  }
0x12d: {  	[tilespmem:s19], [sflag:$0x2] =	stream.indirect_vreg.gather [hbm4b:s5+s3], $0x80, v3, vm0, $0xb8;
	[tilespmem:$0x10400] =	vst v63  }
0x12e: {  	p0 =	sne.s32 s12, $0x1A000  }
0x12f: {  	[tilespmem:s18], [sflag:$0x2] =	stream.indirect_vreg.gather [hbm4b:s7+s3], $0x80, v3, vm0, $0xb8;
	[tilespmem:$0x10400] =	vst v63  }
.Ltmp0:
0x130: {  	_ = 	snop;
	(pc) =	sbr.rel @p0 .LBB2_2-.Ltmp0, $4  }
0x131: {  	s12 =	sadd.s32 $0x2000, s12;
	s26 =	simm.s32 $0x400  }
0x132: {  	[tilespmem:s15], [sflag:$0x2] =	stream.indirect_vreg.gather [hbm4b:s8+s3], $0x80, v3, vm0, $0xb8;
	[tilespmem:$0x10400] =	vst v63  }
0x133: {  	s13 =	sadd.s32 $0x3800, s13;
	s10 =	simm.s32 $0x4400;
	s11 =	sadd.s32 $0x40, s11  }
0x134: {  	[hbm4b:s13+s3] =	stream.linear.scatter [tilespmem:s24], [sflag:$0x8], $0x4000, $0x38;
	[tilespmem:$0x10400] =	vst v63  }
0x135: {  	_ =	swait.ge [sflag:s9], $0x4000  }
0x136: {  	[sflag:s9] =	ssyncset.done $0x0  }
0x137: {  	[sflag:s9] =	ssyncadd.s32 $0xFFFFC000  }
0x138: {  	_ =	swait.ge [sflag:s1], $0x4000  }
0x139: {  	[sflag:s1] =	ssyncset.done $0x0  }
0x13a: {  	[sflag:s1] =	ssyncadd.s32 $0xFFFFC000  }
0x13b: {  	v3 =	vld [tilespmem:$0x3E0];
	_ =	sdelay $0x4  }
0x13c: {  	v4 =	vshll.u32 v3, $0x3  }
0x13d: {  	v3 =	vand.u32 $0x7, v3;
	v4 =	vand.u32 $0xFFFFFFC0, v4  }
0x13e: {  	v3 =	vor.u32 v3, v4  }
0x13f: {  	v4 =	vperm.xlane v3, v0;
	_ =	sdelay $0x1  }
0x140: {  	v4 =	vadd.s32 v1, v4;
	_ =	sdelay $0x3  }
0x141: {  	s6 =	simm.s32 $0x8400  }
0x142: {  	[tilespmem:s6], [sflag:$0x3] =	stream.indirect_vreg.gather [hbm4b:s2+s3], $0x80, v4, vm0, $0xb8;
	[tilespmem:$0x10400] =	vst v63  }
0x143: {  	s11 =	simm.s32 $0x8C00;
	v3 =	vperm.xlane v3, v2  }
0x144: {  	[tilespmem:s11], [sflag:$0x3] =	stream.indirect_vreg.gather [hbm4b:s5+s3], $0x80, v4, vm0, $0xb8;
	[tilespmem:$0x10400] =	vst v63  }
0x145: {  	s20 =	simm.s32 $0x9400;
	v3 =	vadd.s32 v1, v3  }
0x146: {  	[tilespmem:s20], [sflag:$0x3] =	stream.indirect_vreg.gather [hbm4b:s7+s3], $0x80, v4, vm0, $0xb8;
	[tilespmem:$0x10400] =	vst v63  }
0x147: {  	s21 =	simm.s32 $0x9C00  }
0x148: {  	[tilespmem:s21], [sflag:$0x3] =	stream.indirect_vreg.gather [hbm4b:s8+s3], $0x80, v4, vm0, $0xb8;
	[tilespmem:$0x10400] =	vst v63  }
0x149: {  	s22 =	simm.s32 $0xA400  }
0x14a: {  	[tilespmem:s22], [sflag:$0x3] =	stream.indirect_vreg.gather [hbm4b:s2+s3], $0x80, v3, vm0, $0xb8;
	[tilespmem:$0x10400] =	vst v63  }
0x14b: {  	s23 =	simm.s32 $0xAC00  }
0x14c: {  	[tilespmem:s23], [sflag:$0x3] =	stream.indirect_vreg.gather [hbm4b:s5+s3], $0x80, v3, vm0, $0xb8;
	[tilespmem:$0x10400] =	vst v63  }
0x14d: {  	s24 =	simm.s32 $0xB400  }
0x14e: {  	[tilespmem:s24], [sflag:$0x3] =	stream.indirect_vreg.gather [hbm4b:s7+s3], $0x80, v3, vm0, $0xb8;
	[tilespmem:$0x10400] =	vst v63  }
0x14f: {  	s25 =	simm.s32 $0xBC00  }
0x150: {  	[tilespmem:s25], [sflag:$0x3] =	stream.indirect_vreg.gather [hbm4b:s8+s3], $0x80, v3, vm0, $0xb8;
	[tilespmem:$0x10400] =	vst v63  }
0x151: {  	s12 =	rddreg [dreg:$0xa]  }
0x152: {  	[hbm4b:s12+s3] =	stream.linear.scatter [tilespmem:s26], [sflag:$0x5], $0x4000, $0x38;
	[tilespmem:$0x10400] =	vst v63  }
0x153: {  	_ =	swait.ge [sflag:s17], $0x4000  }
0x154: {  	[sflag:s17] =	ssyncset.done $0x0  }
0x155: {  	[sflag:s17] =	ssyncadd.s32 $0xFFFFC000  }
0x156: {  	_ =	swait.ge [sflag:s4], $0x4000  }
0x157: {  	[sflag:s4] =	ssyncset.done $0x0  }
0x158: {  	[sflag:s4] =	ssyncadd.s32 $0xFFFFC000  }
0x159: {  	v3 =	vld [tilespmem:$0x3F0];
	_ =	sdelay $0x4  }
0x15a: {  	v63 =	vshll.u32 v3, $0x3  }
0x15b: {  	v3 =	vand.u32 $0x7, v3;
	v4 =	vand.u32 $0xFFFFFFC0, v63  }
0x15c: {  	v3 =	vor.u32 v3, v4  }
0x15d: {  	v4 =	vperm.xlane v3, v0;
	_ =	sdelay $0x1  }
0x15e: {  	v4 =	vadd.s32 v1, v4;
	_ =	sdelay $0x3  }
0x15f: {  	s12 =	simm.s32 $0xC400  }
0x160: {  	[tilespmem:s12], [sflag:$0x4] =	stream.indirect_vreg.gather [hbm4b:s2+s3], $0x80, v4, vm0, $0xb8;
	[tilespmem:$0x10400] =	vst v63  }
0x161: {  	s13 =	simm.s32 $0xCC00;
	v3 =	vperm.xlane v3, v2  }
0x162: {  	[tilespmem:s13], [sflag:$0x4] =	stream.indirect_vreg.gather [hbm4b:s5+s3], $0x80, v4, vm0, $0xb8;
	[tilespmem:$0x10400] =	vst v63  }
0x163: {  	s14 =	simm.s32 $0xD400;
	v3 =	vadd.s32 v1, v3  }
0x164: {  	[tilespmem:s14], [sflag:$0x4] =	stream.indirect_vreg.gather [hbm4b:s7+s3], $0x80, v4, vm0, $0xb8;
	[tilespmem:$0x10400] =	vst v63  }
0x165: {  	s15 =	simm.s32 $0xDC00  }
0x166: {  	[tilespmem:s15], [sflag:$0x4] =	stream.indirect_vreg.gather [hbm4b:s8+s3], $0x80, v4, vm0, $0xb8;
	[tilespmem:$0x10400] =	vst v63  }
0x167: {  	s16 =	simm.s32 $0xE400  }
0x168: {  	[tilespmem:s16], [sflag:$0x4] =	stream.indirect_vreg.gather [hbm4b:s2+s3], $0x80, v3, vm0, $0xb8;
	[tilespmem:$0x10400] =	vst v63  }
0x169: {  	s18 =	simm.s32 $0xEC00  }
0x16a: {  	[tilespmem:s18], [sflag:$0x4] =	stream.indirect_vreg.gather [hbm4b:s5+s3], $0x80, v3, vm0, $0xb8;
	[tilespmem:$0x10400] =	vst v63  }
0x16b: {  	s20 =	simm.s32 $0xF400  }
0x16c: {  	[tilespmem:s20], [sflag:$0x4] =	stream.indirect_vreg.gather [hbm4b:s7+s3], $0x80, v3, vm0, $0xb8;
	[tilespmem:$0x10400] =	vst v63  }
0x16d: {  	s21 =	simm.s32 $0xFC00  }
0x16e: {  	[tilespmem:s21], [sflag:$0x4] =	stream.indirect_vreg.gather [hbm4b:s8+s3], $0x80, v3, vm0, $0xb8;
	[tilespmem:$0x10400] =	vst v63  }
0x16f: {  	s22 =	rddreg [dreg:$0xb]  }
0x170: {  	[hbm4b:s22+s3] =	stream.linear.scatter [tilespmem:s10], [sflag:$0x6], $0x4000, $0x38;
	[tilespmem:$0x10400] =	vst v63  }
0x171: {  	_ =	swait.ge [sflag:s29], $0x4000  }
0x172: {  	[sflag:s29] =	ssyncset.done $0x0  }
0x173: {  	[sflag:s29] =	ssyncadd.s32 $0xFFFFC000  }
0x174: {  	_ =	swait.ge [sflag:s30], $0x4000  }
0x175: {  	[sflag:s30] =	ssyncset.done $0x0  }
0x176: {  	s23 =	rddreg [dreg:$0xc];
	[sflag:s30] =	ssyncadd.s32 $0xFFFFC000  }
0x177: {  	[hbm4b:s23+s3] =	stream.linear.scatter [tilespmem:s6], [sflag:$0x7], $0x4000, $0x38;
	[tilespmem:$0x10400] =	vst v63  }
0x178: {  	_ =	swait.ge [sflag:s31], $0x4000  }
0x179: {  	[sflag:s31] =	ssyncset.done $0x0  }
0x17a: {  	[sflag:s31] =	ssyncadd.s32 $0xFFFFC000  }
0x17b: {  	_ =	swait.ge [sflag:s0], $0x4000  }
0x17c: {  	[sflag:s0] =	ssyncset.done $0x0  }
0x17d: {  	s24 =	rddreg [dreg:$0xd];
	[sflag:s0] =	ssyncadd.s32 $0xFFFFC000  }
0x17e: {  	[hbm4b:s24+s3] =	stream.linear.scatter [tilespmem:s12], [sflag:$0x8], $0x4000, $0x38;
	[tilespmem:$0x10400] =	vst v63  }
0x17f: {  	_ =	swait.ge [sflag:s1], $0x4000  }
0x180: {  	[sflag:s1] =	ssyncset.done $0x0  }
0x181: {  	[sflag:s1] =	ssyncadd.s32 $0xFFFFC000  }
0x182: {  	_ =	swait.ge [sflag:s4], $0x4000  }
0x183: {  	s25 =	rddreg [dreg:$0xf]  }
0x184: {  	s26 =	rddreg [dreg:$0xe];
	s10 =	sadd.s32 $0x1, s25  }
0x185: {  	s28 =	simm.s32 $0x7C00;
	p0 =	sne.s32 s10, s26  }
.Ltmp1:
0x186: {  	s13 =	simm.s32 $0x1400;
	s14 =	simm.s32 $0x1C00;
	(pc) =	sbr.rel @p0 .LBB2_1-.Ltmp1, $4  }
0x187: {  	s15 =	simm.s32 $0x2C00;
	s16 =	simm.s32 $0x3400;
	s20 =	simm.s32 $0x3C00  }
0x188: {  	s21 =	simm.s32 $0x4C00;
	s22 =	simm.s32 $0x5400;
	s6 =	simm.s32 $0x2400  }
0x189: {  	s23 =	simm.s32 $0x5C00;
	s12 =	simm.s32 $0xC00;
	[sflag:s4] =	ssyncset.done $0x0  }
0x18a: {  	s24 =	simm.s32 $0x6400;
	[sflag:s4] =	ssyncadd.s32 $0xFFFFC000;
	s25 =	simm.s32 $0x7400  }
0x18b: {  	_ =	sfence.sel $0x180000  }
0x18c: {  	[bflag:$0x0] =	sbarrier.arrive $0xFFFF  }
0x18d: {  	_ =	strace $0x90000047  }
0x18e: {  	s0 =	stileid.u32;
	[bflag:$0x2] =	sbarrier.arrive $0xFFFF  }
0x18f: {  	p0 =	sne.s32 s0, $0x0;
	s0 =	rddreg [dreg:$0x3]  }
0x190: {  	s0 =	sadd.s32 @!p0 $0x100000, s0  }
0x191: {  	[sflag:s0] =	ssyncadd.tile.s32 @!p0 $0x1;
	_ =	shalt  }
.Lfunc_end2:
_tile_overlayer_lowered:
.L_overlay_start_2:
0x192: {  	(tag) =	ssettag $0x2  }
0x193: {  	s0 =	rddreg [dreg:$0x0];
	s2 =	stileid.u32  }
0x194: {  	s1 =	rddreg [dreg:$0x1];
	p0 =	sne.s32 s2, $0x0  }
0x195: {  	s3 =	rddreg [dreg:$0x2];
	[bflag:$0x3] =	sbarrier.arrive $0xFFFF;
	s2 =	simm.s32 @!p0 $0x1C09  }
0x196: {  	[timem:s3], [sflag:s2] =	dma.local @!p0 [hbm:s0], s1  }
0x197: {  	s0 =	simm.s32 @!p0 $0x9  }
0x198: {  	_ =	swait.ge @!p0 [sflag:s0], s1  }
0x199: {  	s1 =	ssub.s32 @!p0 $0x0, s1;
	[sflag:s0] =	ssyncset.done @!p0 $0x0  }
0x19a: {  	[sflag:s0] =	ssyncadd.s32 @!p0 s1  }
0x19b: {  	[bflag:$0x3] =	sbarrier.arrive $0xFFFF  }
0x19c: {  	_ =	shalt  }

</sc_bundles>
